<compile_context>
chip_gen: v7x
topology: tpu7x:2x2x1
jax: 0.10.2.dev20260603
libtpu: 0.0.44.dev20260713+nightly
codegen_flags: <defaults>
</compile_context>

<pallas_src>
import functools

import jax
import jax.numpy as jnp
from jax import lax
from jax.experimental import pallas as pl
from jax.experimental.pallas import tpu as pltpu
from jax.experimental.pallas import tpu_sc as plsc

_DIM = 128
_N = 100000
_NW = 32
_T = 128
_NT = 25
_NB = 5
_CHUNK = _T * _NT
_LASTB = _N - _CHUNK

_mesh = plsc.VectorSubcoreMesh(core_axis_name="c", subcore_axis_name="s")


@functools.partial(
    pl.kernel,
    out_type=jax.ShapeDtypeStruct((_N, _DIM), jnp.float32),
    mesh=_mesh,
    scratch_types=[
        pltpu.VMEM((_CHUNK,), jnp.int32),
        pltpu.VMEM((_NB, _T, _DIM), jnp.float32),
        pltpu.VMEM_SHARED((119, _DIM), jnp.float32),
        pltpu.SemaphoreType.DMA,
        pltpu.SemaphoreType.DMA,
        pltpu.SemaphoreType.DMA,
    ],
)
def _sc_gather(idx_hbm, table_hbm, out_hbm, idx_v, rows_v, table_v, gsem,
               osem, ssem):
    sid = lax.axis_index("s")
    wid = sid * 2 + lax.axis_index("c")
    base = jnp.minimum(wid * _CHUNK, _LASTB)

    @pl.when(sid == 0)
    def _():
        pltpu.async_copy(table_hbm, table_v, ssem)

    pltpu.sync_copy(idx_hbm.at[pl.ds(base, _CHUNK)], idx_v)

    @pl.when(sid == 0)
    def _():
        pltpu.make_async_copy(table_hbm, table_v, ssem).wait()

    plsc.subcore_barrier()

    def start_gather(t, slot):
        pltpu.async_copy(table_v.at[idx_v.at[pl.ds(t * _T, _T)]],
                         rows_v.at[slot], gsem)

    def wait_gather(slot):
        pltpu.make_async_copy(table_v.at[idx_v.at[pl.ds(0, _T)]],
                              rows_v.at[slot], gsem).wait()

    def start_store(t, slot):
        pltpu.async_copy(rows_v.at[slot],
                         out_hbm.at[pl.ds(base + t * _T, _T)], osem)

    def wait_store(t, slot):
        pltpu.make_async_copy(rows_v.at[slot],
                              out_hbm.at[pl.ds(base + t * _T, _T)],
                              osem).wait()

    for b in range(_NB):
        start_gather(b, b)
        if b >= 1:
            wait_gather(b - 1)
            start_store(b - 1, b - 1)

    def outer(p, carry):
        for b in range(_NB):
            t = p * _NB + b
            wait_store(t - _NB, b)
            start_gather(t, b)
            wait_gather((b - 1) % _NB)
            start_store(t - 1, (b - 1) % _NB)
        return carry

    lax.fori_loop(1, _NT // _NB, outer, 0, unroll=False)

    wait_gather(4)
    start_store(24, 4)
    for _ in range(_NB):
        pltpu.make_async_copy(rows_v.at[0], out_hbm.at[pl.ds(0, _T)],
                              osem).wait()


def kernel(atom_features, state_features, embedding_table):
    atom_embeds = _sc_gather(atom_features, embedding_table)
    return (atom_embeds, state_features)

# --- scband reference (transcript-rebuilt; emitter-appended) ---
"""Pipeline reference for scband-graph-featurizer-49443663512046 (READ-ONLY COPY).

The authoritative reference and input builder live on the scoring server;
editing this copy changes nothing except your own understanding.
"""

import jax, jax.numpy as jnp
import numpy as np

N_ATOM_TYPES = 119
EMBED_DIM = 128
N_ATOMS = 100000

def setup_inputs(seed: int = 0) -> dict:
    key = jax.random.key(seed)
    k1, k2, k3 = jax.random.split(key, 3)
    atom_features = jax.random.randint(k1, (N_ATOMS,), 0, N_ATOM_TYPES, dtype=jnp.int64 if jax.config.jax_enable_x64 else jnp.int32).astype(jnp.int32)
    state_features = jax.random.normal(k2, (1, 64), dtype=jnp.float32)
    embedding_table = jax.random.normal(k3, (N_ATOM_TYPES, EMBED_DIM), dtype=jnp.float32)
    return {"atom_features": atom_features, "state_features": state_features, "embedding_table": embedding_table}

def reference(atom_features, state_features, embedding_table):
    # Standard AtomEmbedding: nn.Embedding lookup on atomic-number indices.
    atom_embeds = jnp.take(embedding_table, atom_features, axis=0)
    # GraphFeaturizer.forward returns (atom_features_embedded, graph.state_features)
    return (atom_embeds, state_features)

if __name__ == "__main__":
    import jax
    _d = setup_inputs()
    print(jax.jit(kernel)(*tuple(_d.values())))

</pallas_src>

<mosaic_0001>
#map = affine_map<(d0, d1) -> (0)>
#map1 = affine_map<(d0, d1) -> (0, 0)>
module attributes {stable_mosaic.version = 14 : i64} {
  func.func @_sc_gather(%arg0: i32, %arg1: i32, %arg2: memref<100000xi32, #tpu.memory_space<hbm>>, %arg3: memref<119x128xf32, #tpu.memory_space<hbm>>, %arg4: memref<100000x128xf32, #tpu.memory_space<hbm>>, %arg5: memref<3200xi32, #tpu.memory_space<vmem>>, %arg6: memref<5x128x128xf32, #tpu.memory_space<vmem>>, %arg7: memref<119x128xf32, #tpu.memory_space<vmem_shared>>, %arg8: memref<!tpu.dma_semaphore, #tpu.memory_space<semaphore_mem>>, %arg9: memref<!tpu.dma_semaphore, #tpu.memory_space<semaphore_mem>>, %arg10: memref<!tpu.dma_semaphore, #tpu.memory_space<semaphore_mem>>) attributes {dimension_semantics = [#tpu.dimension_semantics<core_parallel>, #tpu.dimension_semantics<subcore_parallel>], iteration_bounds = array<i64: 2, 16>, scalar_prefetch = 0 : i64, scratch_operands = 6 : i64, tpu.core_type = #tpu.core_type<sc_vector_subcore>, window_params = [{transform_indices = #map}, {transform_indices = #map1}, {transform_indices = #map1}]} {
    %mul3A = arith.constant 2 : i32
    %mul3A_0 = arith.muli %arg1, %mul3A : i32
    %add3A = arith.addi %mul3A_0, %arg0 : i32
    %mul3A_1 = arith.constant 3200 : i32
    %mul3A_2 = arith.muli %add3A, %mul3A_1 : i32
    %min3A = arith.constant 96800 : i32
    %min3A_3 = arith.minsi %mul3A_2, %min3A : i32
    %eq3A = arith.constant 0 : i32
    %eq3A_4 = arith.cmpi eq, %arg1, %eq3A : i32
    %convert_element_type3A = arith.extui %eq3A_4 : i1 to i32
    %cond3A = arith.constant 0 : i32
    %cond3A_5 = arith.cmpi ne, %convert_element_type3A, %cond3A : i32
    scf.if %cond3A_5 {
      tpu.enqueue_dma source(%arg3 : memref<119x128xf32, #tpu.memory_space<hbm>>) target(%arg7 : memref<119x128xf32, #tpu.memory_space<vmem_shared>>) target_semaphore(%arg10 : memref<!tpu.dma_semaphore, #tpu.memory_space<semaphore_mem>>)
    } else {
    }
    "tpu.region"() ({
      %run_scoped3A = tpu.sem_alloc : memref<!tpu.dma_semaphore, #tpu.memory_space<semaphore_mem>>
      %dma_start3A_264 = tpu.memref_slice %arg2[%min3A_3] : memref<100000xi32, #tpu.memory_space<hbm>> -> memref<3200xi32, #tpu.memory_space<hbm>>
      %dma_start3A_265 = tpu.memref_slice %arg2[%min3A_3] : memref<100000xi32, #tpu.memory_space<hbm>> -> memref<3200xi32, #tpu.memory_space<hbm>>
      tpu.enqueue_dma source(%dma_start3A_265 : memref<3200xi32, #tpu.memory_space<hbm>>) target(%arg5 : memref<3200xi32, #tpu.memory_space<vmem>>) target_semaphore(%run_scoped3A : memref<!tpu.dma_semaphore, #tpu.memory_space<semaphore_mem>>)
      %dma_wait3A_266 = tpu.memref_slice %arg2[%min3A_3] : memref<100000xi32, #tpu.memory_space<hbm>> -> memref<3200xi32, #tpu.memory_space<hbm>>
      %dma_wait3A_267 = tpu.memref_slice %arg2[%min3A_3] : memref<100000xi32, #tpu.memory_space<hbm>> -> memref<3200xi32, #tpu.memory_space<hbm>>
      tpu.wait_dma2 semaphore(%run_scoped3A : memref<!tpu.dma_semaphore, #tpu.memory_space<semaphore_mem>>) src(%dma_wait3A_267 : memref<3200xi32, #tpu.memory_space<hbm>>) dst(%arg5 : memref<3200xi32, #tpu.memory_space<vmem>>)
      tpu.yield
    }) : () -> ()
    %eq3A_6 = arith.constant 0 : i32
    %eq3A_7 = arith.cmpi eq, %arg1, %eq3A_6 : i32
    %convert_element_type3A_8 = arith.extui %eq3A_7 : i1 to i32
    %cond3A_9 = arith.constant 0 : i32
    %cond3A_10 = arith.cmpi ne, %convert_element_type3A_8, %cond3A_9 : i32
    scf.if %cond3A_10 {
      tpu.wait_dma2 semaphore(%arg10 : memref<!tpu.dma_semaphore, #tpu.memory_space<semaphore_mem>>) src(%arg3 : memref<119x128xf32, #tpu.memory_space<hbm>>) dst(%arg7 : memref<119x128xf32, #tpu.memory_space<vmem_shared>>)
    } else {
    }
    %barrier3A = arith.constant 0 : index
    tpu.barrier barrier_id(%barrier3A)
    %dma_start3A = arith.constant 0 : i32
    %dma_start3A_11 = arith.constant 0 : i32
    %dma_start3A_12 = arith.constant 0 : i32
    %dma_start3A_13 = tpu.memref_slice %arg6[%dma_start3A, %dma_start3A_11, %dma_start3A_12] : memref<5x128x128xf32, #tpu.memory_space<vmem>> -> memref<1x128x128xf32, #tpu.memory_space<vmem>>
    %dma_start3A_14 = tpu.memref_squeeze %dma_start3A_13 : memref<1x128x128xf32, #tpu.memory_space<vmem>> -> memref<128x128xf32, #tpu.memory_space<vmem>>
    %dma_start3A_15 = arith.constant 0 : i32
    %dma_start3A_16 = tpu.memref_slice %arg5[%dma_start3A_15] : memref<3200xi32, #tpu.memory_space<vmem>> -> memref<128xi32, #tpu.memory_space<vmem>>
    %dma_start3A_17 = arith.constant 0 : i32
    %dma_start3A_18 = arith.constant 0 : i32
    %dma_start3A_19 = tpu.memref_slice %arg7[%dma_start3A_17, %dma_start3A_18] : memref<119x128xf32, #tpu.memory_space<vmem_shared>> -> memref<119x128xf32, #tpu.memory_space<vmem_shared>>
    tpu.enqueue_indirect_dma source(%dma_start3A_19 : memref<119x128xf32, #tpu.memory_space<vmem_shared>>) target(%dma_start3A_14 : memref<128x128xf32, #tpu.memory_space<vmem>>) offsets(%dma_start3A_16 : memref<128xi32, #tpu.memory_space<vmem>>) semaphore(%arg8 : memref<!tpu.dma_semaphore, #tpu.memory_space<semaphore_mem>>)
    %dma_start3A_20 = arith.constant 1 : i32
    %dma_start3A_21 = arith.constant 0 : i32
    %dma_start3A_22 = arith.constant 0 : i32
    %dma_start3A_23 = tpu.memref_slice %arg6[%dma_start3A_20, %dma_start3A_21, %dma_start3A_22] : memref<5x128x128xf32, #tpu.memory_space<vmem>> -> memref<1x128x128xf32, #tpu.memory_space<vmem>>
    %dma_start3A_24 = tpu.memref_squeeze %dma_start3A_23 : memref<1x128x128xf32, #tpu.memory_space<vmem>> -> memref<128x128xf32, #tpu.memory_space<vmem>>
    %dma_start3A_25 = arith.constant 128 : i32
    %dma_start3A_26 = tpu.memref_slice %arg5[%dma_start3A_25] : memref<3200xi32, #tpu.memory_space<vmem>> -> memref<128xi32, #tpu.memory_space<vmem>>
    %dma_start3A_27 = arith.constant 0 : i32
    %dma_start3A_28 = arith.constant 0 : i32
    %dma_start3A_29 = tpu.memref_slice %arg7[%dma_start3A_27, %dma_start3A_28] : memref<119x128xf32, #tpu.memory_space<vmem_shared>> -> memref<119x128xf32, #tpu.memory_space<vmem_shared>>
    tpu.enqueue_indirect_dma source(%dma_start3A_29 : memref<119x128xf32, #tpu.memory_space<vmem_shared>>) target(%dma_start3A_24 : memref<128x128xf32, #tpu.memory_space<vmem>>) offsets(%dma_start3A_26 : memref<128xi32, #tpu.memory_space<vmem>>) semaphore(%arg8 : memref<!tpu.dma_semaphore, #tpu.memory_space<semaphore_mem>>)
    %dma_wait3A = arith.constant 0 : i32
    %dma_wait3A_30 = arith.constant 0 : i32
    %dma_wait3A_31 = arith.constant 0 : i32
    %dma_wait3A_32 = tpu.memref_slice %arg6[%dma_wait3A, %dma_wait3A_30, %dma_wait3A_31] : memref<5x128x128xf32, #tpu.memory_space<vmem>> -> memref<1x128x128xf32, #tpu.memory_space<vmem>>
    %dma_wait3A_33 = tpu.memref_squeeze %dma_wait3A_32 : memref<1x128x128xf32, #tpu.memory_space<vmem>> -> memref<128x128xf32, #tpu.memory_space<vmem>>
    %dma_wait3A_34 = arith.constant 0 : i32
    %dma_wait3A_35 = tpu.memref_slice %arg5[%dma_wait3A_34] : memref<3200xi32, #tpu.memory_space<vmem>> -> memref<128xi32, #tpu.memory_space<vmem>>
    %dma_wait3A_36 = arith.constant 0 : i32
    %dma_wait3A_37 = arith.constant 0 : i32
    %dma_wait3A_38 = tpu.memref_slice %arg7[%dma_wait3A_36, %dma_wait3A_37] : memref<119x128xf32, #tpu.memory_space<vmem_shared>> -> memref<119x128xf32, #tpu.memory_space<vmem_shared>>
    tpu.wait_indirect_dma semaphore(%arg8 : memref<!tpu.dma_semaphore, #tpu.memory_space<semaphore_mem>>) src(%dma_wait3A_38 : memref<119x128xf32, #tpu.memory_space<vmem_shared>>) dst(%dma_wait3A_33 : memref<128x128xf32, #tpu.memory_space<vmem>>)
    %add3A_39 = arith.constant 0 : i32
    %add3A_40 = arith.addi %min3A_3, %add3A_39 : i32
    %dma_start3A_41 = arith.constant 0 : i32
    %dma_start3A_42 = arith.constant 0 : i32
    %dma_start3A_43 = arith.constant 0 : i32
    %dma_start3A_44 = tpu.memref_slice %arg6[%dma_start3A_41, %dma_start3A_42, %dma_start3A_43] : memref<5x128x128xf32, #tpu.memory_space<vmem>> -> memref<1x128x128xf32, #tpu.memory_space<vmem>>
    %dma_start3A_45 = tpu.memref_squeeze %dma_start3A_44 : memref<1x128x128xf32, #tpu.memory_space<vmem>> -> memref<128x128xf32, #tpu.memory_space<vmem>>
    %dma_start3A_46 = arith.constant 0 : i32
    %dma_start3A_47 = tpu.memref_slice %arg4[%add3A_40, %dma_start3A_46] : memref<100000x128xf32, #tpu.memory_space<hbm>> -> memref<128x128xf32, #tpu.memory_space<hbm>>
    %dma_start3A_48 = arith.constant 0 : i32
    %dma_start3A_49 = tpu.memref_slice %arg4[%add3A_40, %dma_start3A_48] : memref<100000x128xf32, #tpu.memory_space<hbm>> -> memref<128x128xf32, #tpu.memory_space<hbm>>
    %dma_start3A_50 = arith.constant 0 : i32
    %dma_start3A_51 = arith.constant 0 : i32
    %dma_start3A_52 = tpu.memref_slice %arg6[%dma_start3A_41, %dma_start3A_50, %dma_start3A_51] : memref<5x128x128xf32, #tpu.memory_space<vmem>> -> memref<1x128x128xf32, #tpu.memory_space<vmem>>
    %dma_start3A_53 = tpu.memref_squeeze %dma_start3A_52 : memref<1x128x128xf32, #tpu.memory_space<vmem>> -> memref<128x128xf32, #tpu.memory_space<vmem>>
    tpu.enqueue_dma source(%dma_start3A_53 : memref<128x128xf32, #tpu.memory_space<vmem>>) target(%dma_start3A_49 : memref<128x128xf32, #tpu.memory_space<hbm>>) target_semaphore(%arg9 : memref<!tpu.dma_semaphore, #tpu.memory_space<semaphore_mem>>)
    %dma_start3A_54 = arith.constant 2 : i32
    %dma_start3A_55 = arith.constant 0 : i32
    %dma_start3A_56 = arith.constant 0 : i32
    %dma_start3A_57 = tpu.memref_slice %arg6[%dma_start3A_54, %dma_start3A_55, %dma_start3A_56] : memref<5x128x128xf32, #tpu.memory_space<vmem>> -> memref<1x128x128xf32, #tpu.memory_space<vmem>>
    %dma_start3A_58 = tpu.memref_squeeze %dma_start3A_57 : memref<1x128x128xf32, #tpu.memory_space<vmem>> -> memref<128x128xf32, #tpu.memory_space<vmem>>
    %dma_start3A_59 = arith.constant 256 : i32
    %dma_start3A_60 = tpu.memref_slice %arg5[%dma_start3A_59] : memref<3200xi32, #tpu.memory_space<vmem>> -> memref<128xi32, #tpu.memory_space<vmem>>
    %dma_start3A_61 = arith.constant 0 : i32
    %dma_start3A_62 = arith.constant 0 : i32
    %dma_start3A_63 = tpu.memref_slice %arg7[%dma_start3A_61, %dma_start3A_62] : memref<119x128xf32, #tpu.memory_space<vmem_shared>> -> memref<119x128xf32, #tpu.memory_space<vmem_shared>>
    tpu.enqueue_indirect_dma source(%dma_start3A_63 : memref<119x128xf32, #tpu.memory_space<vmem_shared>>) target(%dma_start3A_58 : memref<128x128xf32, #tpu.memory_space<vmem>>) offsets(%dma_start3A_60 : memref<128xi32, #tpu.memory_space<vmem>>) semaphore(%arg8 : memref<!tpu.dma_semaphore, #tpu.memory_space<semaphore_mem>>)
    %dma_wait3A_64 = arith.constant 1 : i32
    %dma_wait3A_65 = arith.constant 0 : i32
    %dma_wait3A_66 = arith.constant 0 : i32
    %dma_wait3A_67 = tpu.memref_slice %arg6[%dma_wait3A_64, %dma_wait3A_65, %dma_wait3A_66] : memref<5x128x128xf32, #tpu.memory_space<vmem>> -> memref<1x128x128xf32, #tpu.memory_space<vmem>>
    %dma_wait3A_68 = tpu.memref_squeeze %dma_wait3A_67 : memref<1x128x128xf32, #tpu.memory_space<vmem>> -> memref<128x128xf32, #tpu.memory_space<vmem>>
    %dma_wait3A_69 = arith.constant 0 : i32
    %dma_wait3A_70 = tpu.memref_slice %arg5[%dma_wait3A_69] : memref<3200xi32, #tpu.memory_space<vmem>> -> memref<128xi32, #tpu.memory_space<vmem>>
    %dma_wait3A_71 = arith.constant 0 : i32
    %dma_wait3A_72 = arith.constant 0 : i32
    %dma_wait3A_73 = tpu.memref_slice %arg7[%dma_wait3A_71, %dma_wait3A_72] : memref<119x128xf32, #tpu.memory_space<vmem_shared>> -> memref<119x128xf32, #tpu.memory_space<vmem_shared>>
    tpu.wait_indirect_dma semaphore(%arg8 : memref<!tpu.dma_semaphore, #tpu.memory_space<semaphore_mem>>) src(%dma_wait3A_73 : memref<119x128xf32, #tpu.memory_space<vmem_shared>>) dst(%dma_wait3A_68 : memref<128x128xf32, #tpu.memory_space<vmem>>)
    %add3A_74 = arith.constant 128 : i32
    %add3A_75 = arith.addi %min3A_3, %add3A_74 : i32
    %dma_start3A_76 = arith.constant 1 : i32
    %dma_start3A_77 = arith.constant 0 : i32
    %dma_start3A_78 = arith.constant 0 : i32
    %dma_start3A_79 = tpu.memref_slice %arg6[%dma_start3A_76, %dma_start3A_77, %dma_start3A_78] : memref<5x128x128xf32, #tpu.memory_space<vmem>> -> memref<1x128x128xf32, #tpu.memory_space<vmem>>
    %dma_start3A_80 = tpu.memref_squeeze %dma_start3A_79 : memref<1x128x128xf32, #tpu.memory_space<vmem>> -> memref<128x128xf32, #tpu.memory_space<vmem>>
    %dma_start3A_81 = arith.constant 0 : i32
    %dma_start3A_82 = tpu.memref_slice %arg4[%add3A_75, %dma_start3A_81] : memref<100000x128xf32, #tpu.memory_space<hbm>> -> memref<128x128xf32, #tpu.memory_space<hbm>>
    %dma_start3A_83 = arith.constant 0 : i32
    %dma_start3A_84 = tpu.memref_slice %arg4[%add3A_75, %dma_start3A_83] : memref<100000x128xf32, #tpu.memory_space<hbm>> -> memref<128x128xf32, #tpu.memory_space<hbm>>
    %dma_start3A_85 = arith.constant 0 : i32
    %dma_start3A_86 = arith.constant 0 : i32
    %dma_start3A_87 = tpu.memref_slice %arg6[%dma_start3A_76, %dma_start3A_85, %dma_start3A_86] : memref<5x128x128xf32, #tpu.memory_space<vmem>> -> memref<1x128x128xf32, #tpu.memory_space<vmem>>
    %dma_start3A_88 = tpu.memref_squeeze %dma_start3A_87 : memref<1x128x128xf32, #tpu.memory_space<vmem>> -> memref<128x128xf32, #tpu.memory_space<vmem>>
    tpu.enqueue_dma source(%dma_start3A_88 : memref<128x128xf32, #tpu.memory_space<vmem>>) target(%dma_start3A_84 : memref<128x128xf32, #tpu.memory_space<hbm>>) target_semaphore(%arg9 : memref<!tpu.dma_semaphore, #tpu.memory_space<semaphore_mem>>)
    %dma_start3A_89 = arith.constant 3 : i32
    %dma_start3A_90 = arith.constant 0 : i32
    %dma_start3A_91 = arith.constant 0 : i32
    %dma_start3A_92 = tpu.memref_slice %arg6[%dma_start3A_89, %dma_start3A_90, %dma_start3A_91] : memref<5x128x128xf32, #tpu.memory_space<vmem>> -> memref<1x128x128xf32, #tpu.memory_space<vmem>>
    %dma_start3A_93 = tpu.memref_squeeze %dma_start3A_92 : memref<1x128x128xf32, #tpu.memory_space<vmem>> -> memref<128x128xf32, #tpu.memory_space<vmem>>
    %dma_start3A_94 = arith.constant 384 : i32
    %dma_start3A_95 = tpu.memref_slice %arg5[%dma_start3A_94] : memref<3200xi32, #tpu.memory_space<vmem>> -> memref<128xi32, #tpu.memory_space<vmem>>
    %dma_start3A_96 = arith.constant 0 : i32
    %dma_start3A_97 = arith.constant 0 : i32
    %dma_start3A_98 = tpu.memref_slice %arg7[%dma_start3A_96, %dma_start3A_97] : memref<119x128xf32, #tpu.memory_space<vmem_shared>> -> memref<119x128xf32, #tpu.memory_space<vmem_shared>>
    tpu.enqueue_indirect_dma source(%dma_start3A_98 : memref<119x128xf32, #tpu.memory_space<vmem_shared>>) target(%dma_start3A_93 : memref<128x128xf32, #tpu.memory_space<vmem>>) offsets(%dma_start3A_95 : memref<128xi32, #tpu.memory_space<vmem>>) semaphore(%arg8 : memref<!tpu.dma_semaphore, #tpu.memory_space<semaphore_mem>>)
    %dma_wait3A_99 = arith.constant 2 : i32
    %dma_wait3A_100 = arith.constant 0 : i32
    %dma_wait3A_101 = arith.constant 0 : i32
    %dma_wait3A_102 = tpu.memref_slice %arg6[%dma_wait3A_99, %dma_wait3A_100, %dma_wait3A_101] : memref<5x128x128xf32, #tpu.memory_space<vmem>> -> memref<1x128x128xf32, #tpu.memory_space<vmem>>
    %dma_wait3A_103 = tpu.memref_squeeze %dma_wait3A_102 : memref<1x128x128xf32, #tpu.memory_space<vmem>> -> memref<128x128xf32, #tpu.memory_space<vmem>>
    %dma_wait3A_104 = arith.constant 0 : i32
    %dma_wait3A_105 = tpu.memref_slice %arg5[%dma_wait3A_104] : memref<3200xi32, #tpu.memory_space<vmem>> -> memref<128xi32, #tpu.memory_space<vmem>>
    %dma_wait3A_106 = arith.constant 0 : i32
    %dma_wait3A_107 = arith.constant 0 : i32
    %dma_wait3A_108 = tpu.memref_slice %arg7[%dma_wait3A_106, %dma_wait3A_107] : memref<119x128xf32, #tpu.memory_space<vmem_shared>> -> memref<119x128xf32, #tpu.memory_space<vmem_shared>>
    tpu.wait_indirect_dma semaphore(%arg8 : memref<!tpu.dma_semaphore, #tpu.memory_space<semaphore_mem>>) src(%dma_wait3A_108 : memref<119x128xf32, #tpu.memory_space<vmem_shared>>) dst(%dma_wait3A_103 : memref<128x128xf32, #tpu.memory_space<vmem>>)
    %add3A_109 = arith.constant 256 : i32
    %add3A_110 = arith.addi %min3A_3, %add3A_109 : i32
    %dma_start3A_111 = arith.constant 2 : i32
    %dma_start3A_112 = arith.constant 0 : i32
    %dma_start3A_113 = arith.constant 0 : i32
    %dma_start3A_114 = tpu.memref_slice %arg6[%dma_start3A_111, %dma_start3A_112, %dma_start3A_113] : memref<5x128x128xf32, #tpu.memory_space<vmem>> -> memref<1x128x128xf32, #tpu.memory_space<vmem>>
    %dma_start3A_115 = tpu.memref_squeeze %dma_start3A_114 : memref<1x128x128xf32, #tpu.memory_space<vmem>> -> memref<128x128xf32, #tpu.memory_space<vmem>>
    %dma_start3A_116 = arith.constant 0 : i32
    %dma_start3A_117 = tpu.memref_slice %arg4[%add3A_110, %dma_start3A_116] : memref<100000x128xf32, #tpu.memory_space<hbm>> -> memref<128x128xf32, #tpu.memory_space<hbm>>
    %dma_start3A_118 = arith.constant 0 : i32
    %dma_start3A_119 = tpu.memref_slice %arg4[%add3A_110, %dma_start3A_118] : memref<100000x128xf32, #tpu.memory_space<hbm>> -> memref<128x128xf32, #tpu.memory_space<hbm>>
    %dma_start3A_120 = arith.constant 0 : i32
    %dma_start3A_121 = arith.constant 0 : i32
    %dma_start3A_122 = tpu.memref_slice %arg6[%dma_start3A_111, %dma_start3A_120, %dma_start3A_121] : memref<5x128x128xf32, #tpu.memory_space<vmem>> -> memref<1x128x128xf32, #tpu.memory_space<vmem>>
    %dma_start3A_123 = tpu.memref_squeeze %dma_start3A_122 : memref<1x128x128xf32, #tpu.memory_space<vmem>> -> memref<128x128xf32, #tpu.memory_space<vmem>>
    tpu.enqueue_dma source(%dma_start3A_123 : memref<128x128xf32, #tpu.memory_space<vmem>>) target(%dma_start3A_119 : memref<128x128xf32, #tpu.memory_space<hbm>>) target_semaphore(%arg9 : memref<!tpu.dma_semaphore, #tpu.memory_space<semaphore_mem>>)
    %dma_start3A_124 = arith.constant 4 : i32
    %dma_start3A_125 = arith.constant 0 : i32
    %dma_start3A_126 = arith.constant 0 : i32
    %dma_start3A_127 = tpu.memref_slice %arg6[%dma_start3A_124, %dma_start3A_125, %dma_start3A_126] : memref<5x128x128xf32, #tpu.memory_space<vmem>> -> memref<1x128x128xf32, #tpu.memory_space<vmem>>
    %dma_start3A_128 = tpu.memref_squeeze %dma_start3A_127 : memref<1x128x128xf32, #tpu.memory_space<vmem>> -> memref<128x128xf32, #tpu.memory_space<vmem>>
    %dma_start3A_129 = arith.constant 512 : i32
    %dma_start3A_130 = tpu.memref_slice %arg5[%dma_start3A_129] : memref<3200xi32, #tpu.memory_space<vmem>> -> memref<128xi32, #tpu.memory_space<vmem>>
    %dma_start3A_131 = arith.constant 0 : i32
    %dma_start3A_132 = arith.constant 0 : i32
    %dma_start3A_133 = tpu.memref_slice %arg7[%dma_start3A_131, %dma_start3A_132] : memref<119x128xf32, #tpu.memory_space<vmem_shared>> -> memref<119x128xf32, #tpu.memory_space<vmem_shared>>
    tpu.enqueue_indirect_dma source(%dma_start3A_133 : memref<119x128xf32, #tpu.memory_space<vmem_shared>>) target(%dma_start3A_128 : memref<128x128xf32, #tpu.memory_space<vmem>>) offsets(%dma_start3A_130 : memref<128xi32, #tpu.memory_space<vmem>>) semaphore(%arg8 : memref<!tpu.dma_semaphore, #tpu.memory_space<semaphore_mem>>)
    %dma_wait3A_134 = arith.constant 3 : i32
    %dma_wait3A_135 = arith.constant 0 : i32
    %dma_wait3A_136 = arith.constant 0 : i32
    %dma_wait3A_137 = tpu.memref_slice %arg6[%dma_wait3A_134, %dma_wait3A_135, %dma_wait3A_136] : memref<5x128x128xf32, #tpu.memory_space<vmem>> -> memref<1x128x128xf32, #tpu.memory_space<vmem>>
    %dma_wait3A_138 = tpu.memref_squeeze %dma_wait3A_137 : memref<1x128x128xf32, #tpu.memory_space<vmem>> -> memref<128x128xf32, #tpu.memory_space<vmem>>
    %dma_wait3A_139 = arith.constant 0 : i32
    %dma_wait3A_140 = tpu.memref_slice %arg5[%dma_wait3A_139] : memref<3200xi32, #tpu.memory_space<vmem>> -> memref<128xi32, #tpu.memory_space<vmem>>
    %dma_wait3A_141 = arith.constant 0 : i32
    %dma_wait3A_142 = arith.constant 0 : i32
    %dma_wait3A_143 = tpu.memref_slice %arg7[%dma_wait3A_141, %dma_wait3A_142] : memref<119x128xf32, #tpu.memory_space<vmem_shared>> -> memref<119x128xf32, #tpu.memory_space<vmem_shared>>
    tpu.wait_indirect_dma semaphore(%arg8 : memref<!tpu.dma_semaphore, #tpu.memory_space<semaphore_mem>>) src(%dma_wait3A_143 : memref<119x128xf32, #tpu.memory_space<vmem_shared>>) dst(%dma_wait3A_138 : memref<128x128xf32, #tpu.memory_space<vmem>>)
    %add3A_144 = arith.constant 384 : i32
    %add3A_145 = arith.addi %min3A_3, %add3A_144 : i32
    %dma_start3A_146 = arith.constant 3 : i32
    %dma_start3A_147 = arith.constant 0 : i32
    %dma_start3A_148 = arith.constant 0 : i32
    %dma_start3A_149 = tpu.memref_slice %arg6[%dma_start3A_146, %dma_start3A_147, %dma_start3A_148] : memref<5x128x128xf32, #tpu.memory_space<vmem>> -> memref<1x128x128xf32, #tpu.memory_space<vmem>>
    %dma_start3A_150 = tpu.memref_squeeze %dma_start3A_149 : memref<1x128x128xf32, #tpu.memory_space<vmem>> -> memref<128x128xf32, #tpu.memory_space<vmem>>
    %dma_start3A_151 = arith.constant 0 : i32
    %dma_start3A_152 = tpu.memref_slice %arg4[%add3A_145, %dma_start3A_151] : memref<100000x128xf32, #tpu.memory_space<hbm>> -> memref<128x128xf32, #tpu.memory_space<hbm>>
    %dma_start3A_153 = arith.constant 0 : i32
    %dma_start3A_154 = tpu.memref_slice %arg4[%add3A_145, %dma_start3A_153] : memref<100000x128xf32, #tpu.memory_space<hbm>> -> memref<128x128xf32, #tpu.memory_space<hbm>>
    %dma_start3A_155 = arith.constant 0 : i32
    %dma_start3A_156 = arith.constant 0 : i32
    %dma_start3A_157 = tpu.memref_slice %arg6[%dma_start3A_146, %dma_start3A_155, %dma_start3A_156] : memref<5x128x128xf32, #tpu.memory_space<vmem>> -> memref<1x128x128xf32, #tpu.memory_space<vmem>>
    %dma_start3A_158 = tpu.memref_squeeze %dma_start3A_157 : memref<1x128x128xf32, #tpu.memory_space<vmem>> -> memref<128x128xf32, #tpu.memory_space<vmem>>
    tpu.enqueue_dma source(%dma_start3A_158 : memref<128x128xf32, #tpu.memory_space<vmem>>) target(%dma_start3A_154 : memref<128x128xf32, #tpu.memory_space<hbm>>) target_semaphore(%arg9 : memref<!tpu.dma_semaphore, #tpu.memory_space<semaphore_mem>>)
    %scan3A = arith.constant 0 : i32
    %scan3A_159 = arith.constant 1 : i32
    %scan3A_160 = arith.constant 4 : i32
    %scan3A_161 = arith.addi %scan3A_159, %scan3A_160 : i32
    %scan3A_162 = arith.constant 1 : i32
    scf.for %scan3A_264 = %scan3A_159 to %scan3A_161 step %scan3A_162  : i32 {
      %mul3A_265 = arith.constant 5 : i32
      %mul3A_266 = arith.muli %scan3A_264, %mul3A_265 : i32
      %add3A_267 = arith.constant 0 : i32
      %add3A_268 = arith.addi %mul3A_266, %add3A_267 : i32
      %sub3A = arith.constant 5 : i32
      %sub3A_269 = arith.subi %add3A_268, %sub3A : i32
      %mul3A_270 = arith.constant 128 : i32
      %mul3A_271 = arith.muli %sub3A_269, %mul3A_270 : i32
      %add3A_272 = arith.addi %min3A_3, %mul3A_271 : i32
      %dma_wait3A_273 = arith.constant 0 : i32
      %dma_wait3A_274 = arith.constant 0 : i32
      %dma_wait3A_275 = arith.constant 0 : i32
      %dma_wait3A_276 = tpu.memref_slice %arg6[%dma_wait3A_273, %dma_wait3A_274, %dma_wait3A_275] : memref<5x128x128xf32, #tpu.memory_space<vmem>> -> memref<1x128x128xf32, #tpu.memory_space<vmem>>
      %dma_wait3A_277 = tpu.memref_squeeze %dma_wait3A_276 : memref<1x128x128xf32, #tpu.memory_space<vmem>> -> memref<128x128xf32, #tpu.memory_space<vmem>>
      %dma_wait3A_278 = arith.constant 0 : i32
      %dma_wait3A_279 = tpu.memref_slice %arg4[%add3A_272, %dma_wait3A_278] : memref<100000x128xf32, #tpu.memory_space<hbm>> -> memref<128x128xf32, #tpu.memory_space<hbm>>
      %dma_wait3A_280 = arith.constant 0 : i32
      %dma_wait3A_281 = tpu.memref_slice %arg4[%add3A_272, %dma_wait3A_280] : memref<100000x128xf32, #tpu.memory_space<hbm>> -> memref<128x128xf32, #tpu.memory_space<hbm>>
      %dma_wait3A_282 = arith.constant 0 : i32
      %dma_wait3A_283 = arith.constant 0 : i32
      %dma_wait3A_284 = tpu.memref_slice %arg6[%dma_wait3A_273, %dma_wait3A_282, %dma_wait3A_283] : memref<5x128x128xf32, #tpu.memory_space<vmem>> -> memref<1x128x128xf32, #tpu.memory_space<vmem>>
      %dma_wait3A_285 = tpu.memref_squeeze %dma_wait3A_284 : memref<1x128x128xf32, #tpu.memory_space<vmem>> -> memref<128x128xf32, #tpu.memory_space<vmem>>
      tpu.wait_dma2 semaphore(%arg9 : memref<!tpu.dma_semaphore, #tpu.memory_space<semaphore_mem>>) src(%dma_wait3A_285 : memref<128x128xf32, #tpu.memory_space<vmem>>) dst(%dma_wait3A_281 : memref<128x128xf32, #tpu.memory_space<hbm>>)
      %mul3A_286 = arith.constant 128 : i32
      %mul3A_287 = arith.muli %add3A_268, %mul3A_286 : i32
      %dma_start3A_288 = arith.constant 0 : i32
      %dma_start3A_289 = arith.constant 0 : i32
      %dma_start3A_290 = arith.constant 0 : i32
      %dma_start3A_291 = tpu.memref_slice %arg6[%dma_start3A_288, %dma_start3A_289, %dma_start3A_290] : memref<5x128x128xf32, #tpu.memory_space<vmem>> -> memref<1x128x128xf32, #tpu.memory_space<vmem>>
      %dma_start3A_292 = tpu.memref_squeeze %dma_start3A_291 : memref<1x128x128xf32, #tpu.memory_space<vmem>> -> memref<128x128xf32, #tpu.memory_space<vmem>>
      %dma_start3A_293 = tpu.memref_slice %arg5[%mul3A_287] : memref<3200xi32, #tpu.memory_space<vmem>> -> memref<128xi32, #tpu.memory_space<vmem>>
      %dma_start3A_294 = arith.constant 0 : i32
      %dma_start3A_295 = arith.constant 0 : i32
      %dma_start3A_296 = tpu.memref_slice %arg7[%dma_start3A_294, %dma_start3A_295] : memref<119x128xf32, #tpu.memory_space<vmem_shared>> -> memref<119x128xf32, #tpu.memory_space<vmem_shared>>
      tpu.enqueue_indirect_dma source(%dma_start3A_296 : memref<119x128xf32, #tpu.memory_space<vmem_shared>>) target(%dma_start3A_292 : memref<128x128xf32, #tpu.memory_space<vmem>>) offsets(%dma_start3A_293 : memref<128xi32, #tpu.memory_space<vmem>>) semaphore(%arg8 : memref<!tpu.dma_semaphore, #tpu.memory_space<semaphore_mem>>)
      %dma_wait3A_297 = arith.constant 4 : i32
      %dma_wait3A_298 = arith.constant 0 : i32
      %dma_wait3A_299 = arith.constant 0 : i32
      %dma_wait3A_300 = tpu.memref_slice %arg6[%dma_wait3A_297, %dma_wait3A_298, %dma_wait3A_299] : memref<5x128x128xf32, #tpu.memory_space<vmem>> -> memref<1x128x128xf32, #tpu.memory_space<vmem>>
      %dma_wait3A_301 = tpu.memref_squeeze %dma_wait3A_300 : memref<1x128x128xf32, #tpu.memory_space<vmem>> -> memref<128x128xf32, #tpu.memory_space<vmem>>
      %dma_wait3A_302 = arith.constant 0 : i32
      %dma_wait3A_303 = tpu.memref_slice %arg5[%dma_wait3A_302] : memref<3200xi32, #tpu.memory_space<vmem>> -> memref<128xi32, #tpu.memory_space<vmem>>
      %dma_wait3A_304 = arith.constant 0 : i32
      %dma_wait3A_305 = arith.constant 0 : i32
      %dma_wait3A_306 = tpu.memref_slice %arg7[%dma_wait3A_304, %dma_wait3A_305] : memref<119x128xf32, #tpu.memory_space<vmem_shared>> -> memref<119x128xf32, #tpu.memory_space<vmem_shared>>
      tpu.wait_indirect_dma semaphore(%arg8 : memref<!tpu.dma_semaphore, #tpu.memory_space<semaphore_mem>>) src(%dma_wait3A_306 : memref<119x128xf32, #tpu.memory_space<vmem_shared>>) dst(%dma_wait3A_301 : memref<128x128xf32, #tpu.memory_space<vmem>>)
      %sub3A_307 = arith.constant 1 : i32
      %sub3A_308 = arith.subi %add3A_268, %sub3A_307 : i32
      %mul3A_309 = arith.constant 128 : i32
      %mul3A_310 = arith.muli %sub3A_308, %mul3A_309 : i32
      %add3A_311 = arith.addi %min3A_3, %mul3A_310 : i32
      %dma_start3A_312 = arith.constant 4 : i32
      %dma_start3A_313 = arith.constant 0 : i32
      %dma_start3A_314 = arith.constant 0 : i32
      %dma_start3A_315 = tpu.memref_slice %arg6[%dma_start3A_312, %dma_start3A_313, %dma_start3A_314] : memref<5x128x128xf32, #tpu.memory_space<vmem>> -> memref<1x128x128xf32, #tpu.memory_space<vmem>>
      %dma_start3A_316 = tpu.memref_squeeze %dma_start3A_315 : memref<1x128x128xf32, #tpu.memory_space<vmem>> -> memref<128x128xf32, #tpu.memory_space<vmem>>
      %dma_start3A_317 = arith.constant 0 : i32
      %dma_start3A_318 = tpu.memref_slice %arg4[%add3A_311, %dma_start3A_317] : memref<100000x128xf32, #tpu.memory_space<hbm>> -> memref<128x128xf32, #tpu.memory_space<hbm>>
      %dma_start3A_319 = arith.constant 0 : i32
      %dma_start3A_320 = tpu.memref_slice %arg4[%add3A_311, %dma_start3A_319] : memref<100000x128xf32, #tpu.memory_space<hbm>> -> memref<128x128xf32, #tpu.memory_space<hbm>>
      %dma_start3A_321 = arith.constant 0 : i32
      %dma_start3A_322 = arith.constant 0 : i32
      %dma_start3A_323 = tpu.memref_slice %arg6[%dma_start3A_312, %dma_start3A_321, %dma_start3A_322] : memref<5x128x128xf32, #tpu.memory_space<vmem>> -> memref<1x128x128xf32, #tpu.memory_space<vmem>>
      %dma_start3A_324 = tpu.memref_squeeze %dma_start3A_323 : memref<1x128x128xf32, #tpu.memory_space<vmem>> -> memref<128x128xf32, #tpu.memory_space<vmem>>
      tpu.enqueue_dma source(%dma_start3A_324 : memref<128x128xf32, #tpu.memory_space<vmem>>) target(%dma_start3A_320 : memref<128x128xf32, #tpu.memory_space<hbm>>) target_semaphore(%arg9 : memref<!tpu.dma_semaphore, #tpu.memory_space<semaphore_mem>>)
      %mul3A_325 = arith.constant 5 : i32
      %mul3A_326 = arith.muli %scan3A_264, %mul3A_325 : i32
      %add3A_327 = arith.constant 1 : i32
      %add3A_328 = arith.addi %mul3A_326, %add3A_327 : i32
      %sub3A_329 = arith.constant 5 : i32
      %sub3A_330 = arith.subi %add3A_328, %sub3A_329 : i32
      %mul3A_331 = arith.constant 128 : i32
      %mul3A_332 = arith.muli %sub3A_330, %mul3A_331 : i32
      %add3A_333 = arith.addi %min3A_3, %mul3A_332 : i32
      %dma_wait3A_334 = arith.constant 1 : i32
      %dma_wait3A_335 = arith.constant 0 : i32
      %dma_wait3A_336 = arith.constant 0 : i32
      %dma_wait3A_337 = tpu.memref_slice %arg6[%dma_wait3A_334, %dma_wait3A_335, %dma_wait3A_336] : memref<5x128x128xf32, #tpu.memory_space<vmem>> -> memref<1x128x128xf32, #tpu.memory_space<vmem>>
      %dma_wait3A_338 = tpu.memref_squeeze %dma_wait3A_337 : memref<1x128x128xf32, #tpu.memory_space<vmem>> -> memref<128x128xf32, #tpu.memory_space<vmem>>
      %dma_wait3A_339 = arith.constant 0 : i32
      %dma_wait3A_340 = tpu.memref_slice %arg4[%add3A_333, %dma_wait3A_339] : memref<100000x128xf32, #tpu.memory_space<hbm>> -> memref<128x128xf32, #tpu.memory_space<hbm>>
      %dma_wait3A_341 = arith.constant 0 : i32
      %dma_wait3A_342 = tpu.memref_slice %arg4[%add3A_333, %dma_wait3A_341] : memref<100000x128xf32, #tpu.memory_space<hbm>> -> memref<128x128xf32, #tpu.memory_space<hbm>>
      %dma_wait3A_343 = arith.constant 0 : i32
      %dma_wait3A_344 = arith.constant 0 : i32
      %dma_wait3A_345 = tpu.memref_slice %arg6[%dma_wait3A_334, %dma_wait3A_343, %dma_wait3A_344] : memref<5x128x128xf32, #tpu.memory_space<vmem>> -> memref<1x128x128xf32, #tpu.memory_space<vmem>>
      %dma_wait3A_346 = tpu.memref_squeeze %dma_wait3A_345 : memref<1x128x128xf32, #tpu.memory_space<vmem>> -> memref<128x128xf32, #tpu.memory_space<vmem>>
      tpu.wait_dma2 semaphore(%arg9 : memref<!tpu.dma_semaphore, #tpu.memory_space<semaphore_mem>>) src(%dma_wait3A_346 : memref<128x128xf32, #tpu.memory_space<vmem>>) dst(%dma_wait3A_342 : memref<128x128xf32, #tpu.memory_space<hbm>>)
      %mul3A_347 = arith.constant 128 : i32
      %mul3A_348 = arith.muli %add3A_328, %mul3A_347 : i32
      %dma_start3A_349 = arith.constant 1 : i32
      %dma_start3A_350 = arith.constant 0 : i32
      %dma_start3A_351 = arith.constant 0 : i32
      %dma_start3A_352 = tpu.memref_slice %arg6[%dma_start3A_349, %dma_start3A_350, %dma_start3A_351] : memref<5x128x128xf32, #tpu.memory_space<vmem>> -> memref<1x128x128xf32, #tpu.memory_space<vmem>>
      %dma_start3A_353 = tpu.memref_squeeze %dma_start3A_352 : memref<1x128x128xf32, #tpu.memory_space<vmem>> -> memref<128x128xf32, #tpu.memory_space<vmem>>
      %dma_start3A_354 = tpu.memref_slice %arg5[%mul3A_348] : memref<3200xi32, #tpu.memory_space<vmem>> -> memref<128xi32, #tpu.memory_space<vmem>>
      %dma_start3A_355 = arith.constant 0 : i32
      %dma_start3A_356 = arith.constant 0 : i32
      %dma_start3A_357 = tpu.memref_slice %arg7[%dma_start3A_355, %dma_start3A_356] : memref<119x128xf32, #tpu.memory_space<vmem_shared>> -> memref<119x128xf32, #tpu.memory_space<vmem_shared>>
      tpu.enqueue_indirect_dma source(%dma_start3A_357 : memref<119x128xf32, #tpu.memory_space<vmem_shared>>) target(%dma_start3A_353 : memref<128x128xf32, #tpu.memory_space<vmem>>) offsets(%dma_start3A_354 : memref<128xi32, #tpu.memory_space<vmem>>) semaphore(%arg8 : memref<!tpu.dma_semaphore, #tpu.memory_space<semaphore_mem>>)
      %dma_wait3A_358 = arith.constant 0 : i32
      %dma_wait3A_359 = arith.constant 0 : i32
      %dma_wait3A_360 = arith.constant 0 : i32
      %dma_wait3A_361 = tpu.memref_slice %arg6[%dma_wait3A_358, %dma_wait3A_359, %dma_wait3A_360] : memref<5x128x128xf32, #tpu.memory_space<vmem>> -> memref<1x128x128xf32, #tpu.memory_space<vmem>>
      %dma_wait3A_362 = tpu.memref_squeeze %dma_wait3A_361 : memref<1x128x128xf32, #tpu.memory_space<vmem>> -> memref<128x128xf32, #tpu.memory_space<vmem>>
      %dma_wait3A_363 = arith.constant 0 : i32
      %dma_wait3A_364 = tpu.memref_slice %arg5[%dma_wait3A_363] : memref<3200xi32, #tpu.memory_space<vmem>> -> memref<128xi32, #tpu.memory_space<vmem>>
      %dma_wait3A_365 = arith.constant 0 : i32
      %dma_wait3A_366 = arith.constant 0 : i32
      %dma_wait3A_367 = tpu.memref_slice %arg7[%dma_wait3A_365, %dma_wait3A_366] : memref<119x128xf32, #tpu.memory_space<vmem_shared>> -> memref<119x128xf32, #tpu.memory_space<vmem_shared>>
      tpu.wait_indirect_dma semaphore(%arg8 : memref<!tpu.dma_semaphore, #tpu.memory_space<semaphore_mem>>) src(%dma_wait3A_367 : memref<119x128xf32, #tpu.memory_space<vmem_shared>>) dst(%dma_wait3A_362 : memref<128x128xf32, #tpu.memory_space<vmem>>)
      %sub3A_368 = arith.constant 1 : i32
      %sub3A_369 = arith.subi %add3A_328, %sub3A_368 : i32
      %mul3A_370 = arith.constant 128 : i32
      %mul3A_371 = arith.muli %sub3A_369, %mul3A_370 : i32
      %add3A_372 = arith.addi %min3A_3, %mul3A_371 : i32
      %dma_start3A_373 = arith.constant 0 : i32
      %dma_start3A_374 = arith.constant 0 : i32
      %dma_start3A_375 = arith.constant 0 : i32
      %dma_start3A_376 = tpu.memref_slice %arg6[%dma_start3A_373, %dma_start3A_374, %dma_start3A_375] : memref<5x128x128xf32, #tpu.memory_space<vmem>> -> memref<1x128x128xf32, #tpu.memory_space<vmem>>
      %dma_start3A_377 = tpu.memref_squeeze %dma_start3A_376 : memref<1x128x128xf32, #tpu.memory_space<vmem>> -> memref<128x128xf32, #tpu.memory_space<vmem>>
      %dma_start3A_378 = arith.constant 0 : i32
      %dma_start3A_379 = tpu.memref_slice %arg4[%add3A_372, %dma_start3A_378] : memref<100000x128xf32, #tpu.memory_space<hbm>> -> memref<128x128xf32, #tpu.memory_space<hbm>>
      %dma_start3A_380 = arith.constant 0 : i32
      %dma_start3A_381 = tpu.memref_slice %arg4[%add3A_372, %dma_start3A_380] : memref<100000x128xf32, #tpu.memory_space<hbm>> -> memref<128x128xf32, #tpu.memory_space<hbm>>
      %dma_start3A_382 = arith.constant 0 : i32
      %dma_start3A_383 = arith.constant 0 : i32
      %dma_start3A_384 = tpu.memref_slice %arg6[%dma_start3A_373, %dma_start3A_382, %dma_start3A_383] : memref<5x128x128xf32, #tpu.memory_space<vmem>> -> memref<1x128x128xf32, #tpu.memory_space<vmem>>
      %dma_start3A_385 = tpu.memref_squeeze %dma_start3A_384 : memref<1x128x128xf32, #tpu.memory_space<vmem>> -> memref<128x128xf32, #tpu.memory_space<vmem>>
      tpu.enqueue_dma source(%dma_start3A_385 : memref<128x128xf32, #tpu.memory_space<vmem>>) target(%dma_start3A_381 : memref<128x128xf32, #tpu.memory_space<hbm>>) target_semaphore(%arg9 : memref<!tpu.dma_semaphore, #tpu.memory_space<semaphore_mem>>)
      %mul3A_386 = arith.constant 5 : i32
      %mul3A_387 = arith.muli %scan3A_264, %mul3A_386 : i32
      %add3A_388 = arith.constant 2 : i32
      %add3A_389 = arith.addi %mul3A_387, %add3A_388 : i32
      %sub3A_390 = arith.constant 5 : i32
      %sub3A_391 = arith.subi %add3A_389, %sub3A_390 : i32
      %mul3A_392 = arith.constant 128 : i32
      %mul3A_393 = arith.muli %sub3A_391, %mul3A_392 : i32
      %add3A_394 = arith.addi %min3A_3, %mul3A_393 : i32
      %dma_wait3A_395 = arith.constant 2 : i32
      %dma_wait3A_396 = arith.constant 0 : i32
      %dma_wait3A_397 = arith.constant 0 : i32
      %dma_wait3A_398 = tpu.memref_slice %arg6[%dma_wait3A_395, %dma_wait3A_396, %dma_wait3A_397] : memref<5x128x128xf32, #tpu.memory_space<vmem>> -> memref<1x128x128xf32, #tpu.memory_space<vmem>>
      %dma_wait3A_399 = tpu.memref_squeeze %dma_wait3A_398 : memref<1x128x128xf32, #tpu.memory_space<vmem>> -> memref<128x128xf32, #tpu.memory_space<vmem>>
      %dma_wait3A_400 = arith.constant 0 : i32
      %dma_wait3A_401 = tpu.memref_slice %arg4[%add3A_394, %dma_wait3A_400] : memref<100000x128xf32, #tpu.memory_space<hbm>> -> memref<128x128xf32, #tpu.memory_space<hbm>>
      %dma_wait3A_402 = arith.constant 0 : i32
      %dma_wait3A_403 = tpu.memref_slice %arg4[%add3A_394, %dma_wait3A_402] : memref<100000x128xf32, #tpu.memory_space<hbm>> -> memref<128x128xf32, #tpu.memory_space<hbm>>
      %dma_wait3A_404 = arith.constant 0 : i32
      %dma_wait3A_405 = arith.constant 0 : i32
      %dma_wait3A_406 = tpu.memref_slice %arg6[%dma_wait3A_395, %dma_wait3A_404, %dma_wait3A_405] : memref<5x128x128xf32, #tpu.memory_space<vmem>> -> memref<1x128x128xf32, #tpu.memory_space<vmem>>
      %dma_wait3A_407 = tpu.memref_squeeze %dma_wait3A_406 : memref<1x128x128xf32, #tpu.memory_space<vmem>> -> memref<128x128xf32, #tpu.memory_space<vmem>>
      tpu.wait_dma2 semaphore(%arg9 : memref<!tpu.dma_semaphore, #tpu.memory_space<semaphore_mem>>) src(%dma_wait3A_407 : memref<128x128xf32, #tpu.memory_space<vmem>>) dst(%dma_wait3A_403 : memref<128x128xf32, #tpu.memory_space<hbm>>)
      %mul3A_408 = arith.constant 128 : i32
      %mul3A_409 = arith.muli %add3A_389, %mul3A_408 : i32
      %dma_start3A_410 = arith.constant 2 : i32
      %dma_start3A_411 = arith.constant 0 : i32
      %dma_start3A_412 = arith.constant 0 : i32
      %dma_start3A_413 = tpu.memref_slice %arg6[%dma_start3A_410, %dma_start3A_411, %dma_start3A_412] : memref<5x128x128xf32, #tpu.memory_space<vmem>> -> memref<1x128x128xf32, #tpu.memory_space<vmem>>
      %dma_start3A_414 = tpu.memref_squeeze %dma_start3A_413 : memref<1x128x128xf32, #tpu.memory_space<vmem>> -> memref<128x128xf32, #tpu.memory_space<vmem>>
      %dma_start3A_415 = tpu.memref_slice %arg5[%mul3A_409] : memref<3200xi32, #tpu.memory_space<vmem>> -> memref<128xi32, #tpu.memory_space<vmem>>
      %dma_start3A_416 = arith.constant 0 : i32
      %dma_start3A_417 = arith.constant 0 : i32
      %dma_start3A_418 = tpu.memref_slice %arg7[%dma_start3A_416, %dma_start3A_417] : memref<119x128xf32, #tpu.memory_space<vmem_shared>> -> memref<119x128xf32, #tpu.memory_space<vmem_shared>>
      tpu.enqueue_indirect_dma source(%dma_start3A_418 : memref<119x128xf32, #tpu.memory_space<vmem_shared>>) target(%dma_start3A_414 : memref<128x128xf32, #tpu.memory_space<vmem>>) offsets(%dma_start3A_415 : memref<128xi32, #tpu.memory_space<vmem>>) semaphore(%arg8 : memref<!tpu.dma_semaphore, #tpu.memory_space<semaphore_mem>>)
      %dma_wait3A_419 = arith.constant 1 : i32
      %dma_wait3A_420 = arith.constant 0 : i32
      %dma_wait3A_421 = arith.constant 0 : i32
      %dma_wait3A_422 = tpu.memref_slice %arg6[%dma_wait3A_419, %dma_wait3A_420, %dma_wait3A_421] : memref<5x128x128xf32, #tpu.memory_space<vmem>> -> memref<1x128x128xf32, #tpu.memory_space<vmem>>
      %dma_wait3A_423 = tpu.memref_squeeze %dma_wait3A_422 : memref<1x128x128xf32, #tpu.memory_space<vmem>> -> memref<128x128xf32, #tpu.memory_space<vmem>>
      %dma_wait3A_424 = arith.constant 0 : i32
      %dma_wait3A_425 = tpu.memref_slice %arg5[%dma_wait3A_424] : memref<3200xi32, #tpu.memory_space<vmem>> -> memref<128xi32, #tpu.memory_space<vmem>>
      %dma_wait3A_426 = arith.constant 0 : i32
      %dma_wait3A_427 = arith.constant 0 : i32
      %dma_wait3A_428 = tpu.memref_slice %arg7[%dma_wait3A_426, %dma_wait3A_427] : memref<119x128xf32, #tpu.memory_space<vmem_shared>> -> memref<119x128xf32, #tpu.memory_space<vmem_shared>>
      tpu.wait_indirect_dma semaphore(%arg8 : memref<!tpu.dma_semaphore, #tpu.memory_space<semaphore_mem>>) src(%dma_wait3A_428 : memref<119x128xf32, #tpu.memory_space<vmem_shared>>) dst(%dma_wait3A_423 : memref<128x128xf32, #tpu.memory_space<vmem>>)
      %sub3A_429 = arith.constant 1 : i32
      %sub3A_430 = arith.subi %add3A_389, %sub3A_429 : i32
      %mul3A_431 = arith.constant 128 : i32
      %mul3A_432 = arith.muli %sub3A_430, %mul3A_431 : i32
      %add3A_433 = arith.addi %min3A_3, %mul3A_432 : i32
      %dma_start3A_434 = arith.constant 1 : i32
      %dma_start3A_435 = arith.constant 0 : i32
      %dma_start3A_436 = arith.constant 0 : i32
      %dma_start3A_437 = tpu.memref_slice %arg6[%dma_start3A_434, %dma_start3A_435, %dma_start3A_436] : memref<5x128x128xf32, #tpu.memory_space<vmem>> -> memref<1x128x128xf32, #tpu.memory_space<vmem>>
      %dma_start3A_438 = tpu.memref_squeeze %dma_start3A_437 : memref<1x128x128xf32, #tpu.memory_space<vmem>> -> memref<128x128xf32, #tpu.memory_space<vmem>>
      %dma_start3A_439 = arith.constant 0 : i32
      %dma_start3A_440 = tpu.memref_slice %arg4[%add3A_433, %dma_start3A_439] : memref<100000x128xf32, #tpu.memory_space<hbm>> -> memref<128x128xf32, #tpu.memory_space<hbm>>
      %dma_start3A_441 = arith.constant 0 : i32
      %dma_start3A_442 = tpu.memref_slice %arg4[%add3A_433, %dma_start3A_441] : memref<100000x128xf32, #tpu.memory_space<hbm>> -> memref<128x128xf32, #tpu.memory_space<hbm>>
      %dma_start3A_443 = arith.constant 0 : i32
      %dma_start3A_444 = arith.constant 0 : i32
      %dma_start3A_445 = tpu.memref_slice %arg6[%dma_start3A_434, %dma_start3A_443, %dma_start3A_444] : memref<5x128x128xf32, #tpu.memory_space<vmem>> -> memref<1x128x128xf32, #tpu.memory_space<vmem>>
      %dma_start3A_446 = tpu.memref_squeeze %dma_start3A_445 : memref<1x128x128xf32, #tpu.memory_space<vmem>> -> memref<128x128xf32, #tpu.memory_space<vmem>>
      tpu.enqueue_dma source(%dma_start3A_446 : memref<128x128xf32, #tpu.memory_space<vmem>>) target(%dma_start3A_442 : memref<128x128xf32, #tpu.memory_space<hbm>>) target_semaphore(%arg9 : memref<!tpu.dma_semaphore, #tpu.memory_space<semaphore_mem>>)
      %mul3A_447 = arith.constant 5 : i32
      %mul3A_448 = arith.muli %scan3A_264, %mul3A_447 : i32
      %add3A_449 = arith.constant 3 : i32
      %add3A_450 = arith.addi %mul3A_448, %add3A_449 : i32
      %sub3A_451 = arith.constant 5 : i32
      %sub3A_452 = arith.subi %add3A_450, %sub3A_451 : i32
      %mul3A_453 = arith.constant 128 : i32
      %mul3A_454 = arith.muli %sub3A_452, %mul3A_453 : i32
      %add3A_455 = arith.addi %min3A_3, %mul3A_454 : i32
      %dma_wait3A_456 = arith.constant 3 : i32
      %dma_wait3A_457 = arith.constant 0 : i32
      %dma_wait3A_458 = arith.constant 0 : i32
      %dma_wait3A_459 = tpu.memref_slice %arg6[%dma_wait3A_456, %dma_wait3A_457, %dma_wait3A_458] : memref<5x128x128xf32, #tpu.memory_space<vmem>> -> memref<1x128x128xf32, #tpu.memory_space<vmem>>
      %dma_wait3A_460 = tpu.memref_squeeze %dma_wait3A_459 : memref<1x128x128xf32, #tpu.memory_space<vmem>> -> memref<128x128xf32, #tpu.memory_space<vmem>>
      %dma_wait3A_461 = arith.constant 0 : i32
      %dma_wait3A_462 = tpu.memref_slice %arg4[%add3A_455, %dma_wait3A_461] : memref<100000x128xf32, #tpu.memory_space<hbm>> -> memref<128x128xf32, #tpu.memory_space<hbm>>
      %dma_wait3A_463 = arith.constant 0 : i32
      %dma_wait3A_464 = tpu.memref_slice %arg4[%add3A_455, %dma_wait3A_463] : memref<100000x128xf32, #tpu.memory_space<hbm>> -> memref<128x128xf32, #tpu.memory_space<hbm>>
      %dma_wait3A_465 = arith.constant 0 : i32
      %dma_wait3A_466 = arith.constant 0 : i32
      %dma_wait3A_467 = tpu.memref_slice %arg6[%dma_wait3A_456, %dma_wait3A_465, %dma_wait3A_466] : memref<5x128x128xf32, #tpu.memory_space<vmem>> -> memref<1x128x128xf32, #tpu.memory_space<vmem>>
      %dma_wait3A_468 = tpu.memref_squeeze %dma_wait3A_467 : memref<1x128x128xf32, #tpu.memory_space<vmem>> -> memref<128x128xf32, #tpu.memory_space<vmem>>
      tpu.wait_dma2 semaphore(%arg9 : memref<!tpu.dma_semaphore, #tpu.memory_space<semaphore_mem>>) src(%dma_wait3A_468 : memref<128x128xf32, #tpu.memory_space<vmem>>) dst(%dma_wait3A_464 : memref<128x128xf32, #tpu.memory_space<hbm>>)
      %mul3A_469 = arith.constant 128 : i32
      %mul3A_470 = arith.muli %add3A_450, %mul3A_469 : i32
      %dma_start3A_471 = arith.constant 3 : i32
      %dma_start3A_472 = arith.constant 0 : i32
      %dma_start3A_473 = arith.constant 0 : i32
      %dma_start3A_474 = tpu.memref_slice %arg6[%dma_start3A_471, %dma_start3A_472, %dma_start3A_473] : memref<5x128x128xf32, #tpu.memory_space<vmem>> -> memref<1x128x128xf32, #tpu.memory_space<vmem>>
      %dma_start3A_475 = tpu.memref_squeeze %dma_start3A_474 : memref<1x128x128xf32, #tpu.memory_space<vmem>> -> memref<128x128xf32, #tpu.memory_space<vmem>>
      %dma_start3A_476 = tpu.memref_slice %arg5[%mul3A_470] : memref<3200xi32, #tpu.memory_space<vmem>> -> memref<128xi32, #tpu.memory_space<vmem>>
      %dma_start3A_477 = arith.constant 0 : i32
      %dma_start3A_478 = arith.constant 0 : i32
      %dma_start3A_479 = tpu.memref_slice %arg7[%dma_start3A_477, %dma_start3A_478] : memref<119x128xf32, #tpu.memory_space<vmem_shared>> -> memref<119x128xf32, #tpu.memory_space<vmem_shared>>
      tpu.enqueue_indirect_dma source(%dma_start3A_479 : memref<119x128xf32, #tpu.memory_space<vmem_shared>>) target(%dma_start3A_475 : memref<128x128xf32, #tpu.memory_space<vmem>>) offsets(%dma_start3A_476 : memref<128xi32, #tpu.memory_space<vmem>>) semaphore(%arg8 : memref<!tpu.dma_semaphore, #tpu.memory_space<semaphore_mem>>)
      %dma_wait3A_480 = arith.constant 2 : i32
      %dma_wait3A_481 = arith.constant 0 : i32
      %dma_wait3A_482 = arith.constant 0 : i32
      %dma_wait3A_483 = tpu.memref_slice %arg6[%dma_wait3A_480, %dma_wait3A_481, %dma_wait3A_482] : memref<5x128x128xf32, #tpu.memory_space<vmem>> -> memref<1x128x128xf32, #tpu.memory_space<vmem>>
      %dma_wait3A_484 = tpu.memref_squeeze %dma_wait3A_483 : memref<1x128x128xf32, #tpu.memory_space<vmem>> -> memref<128x128xf32, #tpu.memory_space<vmem>>
      %dma_wait3A_485 = arith.constant 0 : i32
      %dma_wait3A_486 = tpu.memref_slice %arg5[%dma_wait3A_485] : memref<3200xi32, #tpu.memory_space<vmem>> -> memref<128xi32, #tpu.memory_space<vmem>>
      %dma_wait3A_487 = arith.constant 0 : i32
      %dma_wait3A_488 = arith.constant 0 : i32
      %dma_wait3A_489 = tpu.memref_slice %arg7[%dma_wait3A_487, %dma_wait3A_488] : memref<119x128xf32, #tpu.memory_space<vmem_shared>> -> memref<119x128xf32, #tpu.memory_space<vmem_shared>>
      tpu.wait_indirect_dma semaphore(%arg8 : memref<!tpu.dma_semaphore, #tpu.memory_space<semaphore_mem>>) src(%dma_wait3A_489 : memref<119x128xf32, #tpu.memory_space<vmem_shared>>) dst(%dma_wait3A_484 : memref<128x128xf32, #tpu.memory_space<vmem>>)
      %sub3A_490 = arith.constant 1 : i32
      %sub3A_491 = arith.subi %add3A_450, %sub3A_490 : i32
      %mul3A_492 = arith.constant 128 : i32
      %mul3A_493 = arith.muli %sub3A_491, %mul3A_492 : i32
      %add3A_494 = arith.addi %min3A_3, %mul3A_493 : i32
      %dma_start3A_495 = arith.constant 2 : i32
      %dma_start3A_496 = arith.constant 0 : i32
      %dma_start3A_497 = arith.constant 0 : i32
      %dma_start3A_498 = tpu.memref_slice %arg6[%dma_start3A_495, %dma_start3A_496, %dma_start3A_497] : memref<5x128x128xf32, #tpu.memory_space<vmem>> -> memref<1x128x128xf32, #tpu.memory_space<vmem>>
      %dma_start3A_499 = tpu.memref_squeeze %dma_start3A_498 : memref<1x128x128xf32, #tpu.memory_space<vmem>> -> memref<128x128xf32, #tpu.memory_space<vmem>>
      %dma_start3A_500 = arith.constant 0 : i32
      %dma_start3A_501 = tpu.memref_slice %arg4[%add3A_494, %dma_start3A_500] : memref<100000x128xf32, #tpu.memory_space<hbm>> -> memref<128x128xf32, #tpu.memory_space<hbm>>
      %dma_start3A_502 = arith.constant 0 : i32
      %dma_start3A_503 = tpu.memref_slice %arg4[%add3A_494, %dma_start3A_502] : memref<100000x128xf32, #tpu.memory_space<hbm>> -> memref<128x128xf32, #tpu.memory_space<hbm>>
      %dma_start3A_504 = arith.constant 0 : i32
      %dma_start3A_505 = arith.constant 0 : i32
      %dma_start3A_506 = tpu.memref_slice %arg6[%dma_start3A_495, %dma_start3A_504, %dma_start3A_505] : memref<5x128x128xf32, #tpu.memory_space<vmem>> -> memref<1x128x128xf32, #tpu.memory_space<vmem>>
      %dma_start3A_507 = tpu.memref_squeeze %dma_start3A_506 : memref<1x128x128xf32, #tpu.memory_space<vmem>> -> memref<128x128xf32, #tpu.memory_space<vmem>>
      tpu.enqueue_dma source(%dma_start3A_507 : memref<128x128xf32, #tpu.memory_space<vmem>>) target(%dma_start3A_503 : memref<128x128xf32, #tpu.memory_space<hbm>>) target_semaphore(%arg9 : memref<!tpu.dma_semaphore, #tpu.memory_space<semaphore_mem>>)
      %mul3A_508 = arith.constant 5 : i32
      %mul3A_509 = arith.muli %scan3A_264, %mul3A_508 : i32
      %add3A_510 = arith.constant 4 : i32
      %add3A_511 = arith.addi %mul3A_509, %add3A_510 : i32
      %sub3A_512 = arith.constant 5 : i32
      %sub3A_513 = arith.subi %add3A_511, %sub3A_512 : i32
      %mul3A_514 = arith.constant 128 : i32
      %mul3A_515 = arith.muli %sub3A_513, %mul3A_514 : i32
      %add3A_516 = arith.addi %min3A_3, %mul3A_515 : i32
      %dma_wait3A_517 = arith.constant 4 : i32
      %dma_wait3A_518 = arith.constant 0 : i32
      %dma_wait3A_519 = arith.constant 0 : i32
      %dma_wait3A_520 = tpu.memref_slice %arg6[%dma_wait3A_517, %dma_wait3A_518, %dma_wait3A_519] : memref<5x128x128xf32, #tpu.memory_space<vmem>> -> memref<1x128x128xf32, #tpu.memory_space<vmem>>
      %dma_wait3A_521 = tpu.memref_squeeze %dma_wait3A_520 : memref<1x128x128xf32, #tpu.memory_space<vmem>> -> memref<128x128xf32, #tpu.memory_space<vmem>>
      %dma_wait3A_522 = arith.constant 0 : i32
      %dma_wait3A_523 = tpu.memref_slice %arg4[%add3A_516, %dma_wait3A_522] : memref<100000x128xf32, #tpu.memory_space<hbm>> -> memref<128x128xf32, #tpu.memory_space<hbm>>
      %dma_wait3A_524 = arith.constant 0 : i32
      %dma_wait3A_525 = tpu.memref_slice %arg4[%add3A_516, %dma_wait3A_524] : memref<100000x128xf32, #tpu.memory_space<hbm>> -> memref<128x128xf32, #tpu.memory_space<hbm>>
      %dma_wait3A_526 = arith.constant 0 : i32
      %dma_wait3A_527 = arith.constant 0 : i32
      %dma_wait3A_528 = tpu.memref_slice %arg6[%dma_wait3A_517, %dma_wait3A_526, %dma_wait3A_527] : memref<5x128x128xf32, #tpu.memory_space<vmem>> -> memref<1x128x128xf32, #tpu.memory_space<vmem>>
      %dma_wait3A_529 = tpu.memref_squeeze %dma_wait3A_528 : memref<1x128x128xf32, #tpu.memory_space<vmem>> -> memref<128x128xf32, #tpu.memory_space<vmem>>
      tpu.wait_dma2 semaphore(%arg9 : memref<!tpu.dma_semaphore, #tpu.memory_space<semaphore_mem>>) src(%dma_wait3A_529 : memref<128x128xf32, #tpu.memory_space<vmem>>) dst(%dma_wait3A_525 : memref<128x128xf32, #tpu.memory_space<hbm>>)
      %mul3A_530 = arith.constant 128 : i32
      %mul3A_531 = arith.muli %add3A_511, %mul3A_530 : i32
      %dma_start3A_532 = arith.constant 4 : i32
      %dma_start3A_533 = arith.constant 0 : i32
      %dma_start3A_534 = arith.constant 0 : i32
      %dma_start3A_535 = tpu.memref_slice %arg6[%dma_start3A_532, %dma_start3A_533, %dma_start3A_534] : memref<5x128x128xf32, #tpu.memory_space<vmem>> -> memref<1x128x128xf32, #tpu.memory_space<vmem>>
      %dma_start3A_536 = tpu.memref_squeeze %dma_start3A_535 : memref<1x128x128xf32, #tpu.memory_space<vmem>> -> memref<128x128xf32, #tpu.memory_space<vmem>>
      %dma_start3A_537 = tpu.memref_slice %arg5[%mul3A_531] : memref<3200xi32, #tpu.memory_space<vmem>> -> memref<128xi32, #tpu.memory_space<vmem>>
      %dma_start3A_538 = arith.constant 0 : i32
      %dma_start3A_539 = arith.constant 0 : i32
      %dma_start3A_540 = tpu.memref_slice %arg7[%dma_start3A_538, %dma_start3A_539] : memref<119x128xf32, #tpu.memory_space<vmem_shared>> -> memref<119x128xf32, #tpu.memory_space<vmem_shared>>
      tpu.enqueue_indirect_dma source(%dma_start3A_540 : memref<119x128xf32, #tpu.memory_space<vmem_shared>>) target(%dma_start3A_536 : memref<128x128xf32, #tpu.memory_space<vmem>>) offsets(%dma_start3A_537 : memref<128xi32, #tpu.memory_space<vmem>>) semaphore(%arg8 : memref<!tpu.dma_semaphore, #tpu.memory_space<semaphore_mem>>)
      %dma_wait3A_541 = arith.constant 3 : i32
      %dma_wait3A_542 = arith.constant 0 : i32
      %dma_wait3A_543 = arith.constant 0 : i32
      %dma_wait3A_544 = tpu.memref_slice %arg6[%dma_wait3A_541, %dma_wait3A_542, %dma_wait3A_543] : memref<5x128x128xf32, #tpu.memory_space<vmem>> -> memref<1x128x128xf32, #tpu.memory_space<vmem>>
      %dma_wait3A_545 = tpu.memref_squeeze %dma_wait3A_544 : memref<1x128x128xf32, #tpu.memory_space<vmem>> -> memref<128x128xf32, #tpu.memory_space<vmem>>
      %dma_wait3A_546 = arith.constant 0 : i32
      %dma_wait3A_547 = tpu.memref_slice %arg5[%dma_wait3A_546] : memref<3200xi32, #tpu.memory_space<vmem>> -> memref<128xi32, #tpu.memory_space<vmem>>
      %dma_wait3A_548 = arith.constant 0 : i32
      %dma_wait3A_549 = arith.constant 0 : i32
      %dma_wait3A_550 = tpu.memref_slice %arg7[%dma_wait3A_548, %dma_wait3A_549] : memref<119x128xf32, #tpu.memory_space<vmem_shared>> -> memref<119x128xf32, #tpu.memory_space<vmem_shared>>
      tpu.wait_indirect_dma semaphore(%arg8 : memref<!tpu.dma_semaphore, #tpu.memory_space<semaphore_mem>>) src(%dma_wait3A_550 : memref<119x128xf32, #tpu.memory_space<vmem_shared>>) dst(%dma_wait3A_545 : memref<128x128xf32, #tpu.memory_space<vmem>>)
      %sub3A_551 = arith.constant 1 : i32
      %sub3A_552 = arith.subi %add3A_511, %sub3A_551 : i32
      %mul3A_553 = arith.constant 128 : i32
      %mul3A_554 = arith.muli %sub3A_552, %mul3A_553 : i32
      %add3A_555 = arith.addi %min3A_3, %mul3A_554 : i32
      %dma_start3A_556 = arith.constant 3 : i32
      %dma_start3A_557 = arith.constant 0 : i32
      %dma_start3A_558 = arith.constant 0 : i32
      %dma_start3A_559 = tpu.memref_slice %arg6[%dma_start3A_556, %dma_start3A_557, %dma_start3A_558] : memref<5x128x128xf32, #tpu.memory_space<vmem>> -> memref<1x128x128xf32, #tpu.memory_space<vmem>>
      %dma_start3A_560 = tpu.memref_squeeze %dma_start3A_559 : memref<1x128x128xf32, #tpu.memory_space<vmem>> -> memref<128x128xf32, #tpu.memory_space<vmem>>
      %dma_start3A_561 = arith.constant 0 : i32
      %dma_start3A_562 = tpu.memref_slice %arg4[%add3A_555, %dma_start3A_561] : memref<100000x128xf32, #tpu.memory_space<hbm>> -> memref<128x128xf32, #tpu.memory_space<hbm>>
      %dma_start3A_563 = arith.constant 0 : i32
      %dma_start3A_564 = tpu.memref_slice %arg4[%add3A_555, %dma_start3A_563] : memref<100000x128xf32, #tpu.memory_space<hbm>> -> memref<128x128xf32, #tpu.memory_space<hbm>>
      %dma_start3A_565 = arith.constant 0 : i32
      %dma_start3A_566 = arith.constant 0 : i32
      %dma_start3A_567 = tpu.memref_slice %arg6[%dma_start3A_556, %dma_start3A_565, %dma_start3A_566] : memref<5x128x128xf32, #tpu.memory_space<vmem>> -> memref<1x128x128xf32, #tpu.memory_space<vmem>>
      %dma_start3A_568 = tpu.memref_squeeze %dma_start3A_567 : memref<1x128x128xf32, #tpu.memory_space<vmem>> -> memref<128x128xf32, #tpu.memory_space<vmem>>
      tpu.enqueue_dma source(%dma_start3A_568 : memref<128x128xf32, #tpu.memory_space<vmem>>) target(%dma_start3A_564 : memref<128x128xf32, #tpu.memory_space<hbm>>) target_semaphore(%arg9 : memref<!tpu.dma_semaphore, #tpu.memory_space<semaphore_mem>>)
    }
    %scan3A_163 = arith.constant 4 : i32
    %dma_wait3A_164 = arith.constant 4 : i32
    %dma_wait3A_165 = arith.constant 0 : i32
    %dma_wait3A_166 = arith.constant 0 : i32
    %dma_wait3A_167 = tpu.memref_slice %arg6[%dma_wait3A_164, %dma_wait3A_165, %dma_wait3A_166] : memref<5x128x128xf32, #tpu.memory_space<vmem>> -> memref<1x128x128xf32, #tpu.memory_space<vmem>>
    %dma_wait3A_168 = tpu.memref_squeeze %dma_wait3A_167 : memref<1x128x128xf32, #tpu.memory_space<vmem>> -> memref<128x128xf32, #tpu.memory_space<vmem>>
    %dma_wait3A_169 = arith.constant 0 : i32
    %dma_wait3A_170 = tpu.memref_slice %arg5[%dma_wait3A_169] : memref<3200xi32, #tpu.memory_space<vmem>> -> memref<128xi32, #tpu.memory_space<vmem>>
    %dma_wait3A_171 = arith.constant 0 : i32
    %dma_wait3A_172 = arith.constant 0 : i32
    %dma_wait3A_173 = tpu.memref_slice %arg7[%dma_wait3A_171, %dma_wait3A_172] : memref<119x128xf32, #tpu.memory_space<vmem_shared>> -> memref<119x128xf32, #tpu.memory_space<vmem_shared>>
    tpu.wait_indirect_dma semaphore(%arg8 : memref<!tpu.dma_semaphore, #tpu.memory_space<semaphore_mem>>) src(%dma_wait3A_173 : memref<119x128xf32, #tpu.memory_space<vmem_shared>>) dst(%dma_wait3A_168 : memref<128x128xf32, #tpu.memory_space<vmem>>)
    %add3A_174 = arith.constant 3072 : i32
    %add3A_175 = arith.addi %min3A_3, %add3A_174 : i32
    %dma_start3A_176 = arith.constant 4 : i32
    %dma_start3A_177 = arith.constant 0 : i32
    %dma_start3A_178 = arith.constant 0 : i32
    %dma_start3A_179 = tpu.memref_slice %arg6[%dma_start3A_176, %dma_start3A_177, %dma_start3A_178] : memref<5x128x128xf32, #tpu.memory_space<vmem>> -> memref<1x128x128xf32, #tpu.memory_space<vmem>>
    %dma_start3A_180 = tpu.memref_squeeze %dma_start3A_179 : memref<1x128x128xf32, #tpu.memory_space<vmem>> -> memref<128x128xf32, #tpu.memory_space<vmem>>
    %dma_start3A_181 = arith.constant 0 : i32
    %dma_start3A_182 = tpu.memref_slice %arg4[%add3A_175, %dma_start3A_181] : memref<100000x128xf32, #tpu.memory_space<hbm>> -> memref<128x128xf32, #tpu.memory_space<hbm>>
    %dma_start3A_183 = arith.constant 0 : i32
    %dma_start3A_184 = tpu.memref_slice %arg4[%add3A_175, %dma_start3A_183] : memref<100000x128xf32, #tpu.memory_space<hbm>> -> memref<128x128xf32, #tpu.memory_space<hbm>>
    %dma_start3A_185 = arith.constant 0 : i32
    %dma_start3A_186 = arith.constant 0 : i32
    %dma_start3A_187 = tpu.memref_slice %arg6[%dma_start3A_176, %dma_start3A_185, %dma_start3A_186] : memref<5x128x128xf32, #tpu.memory_space<vmem>> -> memref<1x128x128xf32, #tpu.memory_space<vmem>>
    %dma_start3A_188 = tpu.memref_squeeze %dma_start3A_187 : memref<1x128x128xf32, #tpu.memory_space<vmem>> -> memref<128x128xf32, #tpu.memory_space<vmem>>
    tpu.enqueue_dma source(%dma_start3A_188 : memref<128x128xf32, #tpu.memory_space<vmem>>) target(%dma_start3A_184 : memref<128x128xf32, #tpu.memory_space<hbm>>) target_semaphore(%arg9 : memref<!tpu.dma_semaphore, #tpu.memory_space<semaphore_mem>>)
    %dma_wait3A_189 = arith.constant 0 : i32
    %dma_wait3A_190 = arith.constant 0 : i32
    %dma_wait3A_191 = arith.constant 0 : i32
    %dma_wait3A_192 = tpu.memref_slice %arg6[%dma_wait3A_189, %dma_wait3A_190, %dma_wait3A_191] : memref<5x128x128xf32, #tpu.memory_space<vmem>> -> memref<1x128x128xf32, #tpu.memory_space<vmem>>
    %dma_wait3A_193 = tpu.memref_squeeze %dma_wait3A_192 : memref<1x128x128xf32, #tpu.memory_space<vmem>> -> memref<128x128xf32, #tpu.memory_space<vmem>>
    %dma_wait3A_194 = arith.constant 0 : i32
    %dma_wait3A_195 = arith.constant 0 : i32
    %dma_wait3A_196 = tpu.memref_slice %arg4[%dma_wait3A_194, %dma_wait3A_195] : memref<100000x128xf32, #tpu.memory_space<hbm>> -> memref<128x128xf32, #tpu.memory_space<hbm>>
    %dma_wait3A_197 = arith.constant 0 : i32
    %dma_wait3A_198 = arith.constant 0 : i32
    %dma_wait3A_199 = tpu.memref_slice %arg4[%dma_wait3A_197, %dma_wait3A_198] : memref<100000x128xf32, #tpu.memory_space<hbm>> -> memref<128x128xf32, #tpu.memory_space<hbm>>
    %dma_wait3A_200 = arith.constant 0 : i32
    %dma_wait3A_201 = arith.constant 0 : i32
    %dma_wait3A_202 = tpu.memref_slice %arg6[%dma_wait3A_189, %dma_wait3A_200, %dma_wait3A_201] : memref<5x128x128xf32, #tpu.memory_space<vmem>> -> memref<1x128x128xf32, #tpu.memory_space<vmem>>
    %dma_wait3A_203 = tpu.memref_squeeze %dma_wait3A_202 : memref<1x128x128xf32, #tpu.memory_space<vmem>> -> memref<128x128xf32, #tpu.memory_space<vmem>>
    tpu.wait_dma2 semaphore(%arg9 : memref<!tpu.dma_semaphore, #tpu.memory_space<semaphore_mem>>) src(%dma_wait3A_203 : memref<128x128xf32, #tpu.memory_space<vmem>>) dst(%dma_wait3A_199 : memref<128x128xf32, #tpu.memory_space<hbm>>)
    %dma_wait3A_204 = arith.constant 0 : i32
    %dma_wait3A_205 = arith.constant 0 : i32
    %dma_wait3A_206 = arith.constant 0 : i32
    %dma_wait3A_207 = tpu.memref_slice %arg6[%dma_wait3A_204, %dma_wait3A_205, %dma_wait3A_206] : memref<5x128x128xf32, #tpu.memory_space<vmem>> -> memref<1x128x128xf32, #tpu.memory_space<vmem>>
    %dma_wait3A_208 = tpu.memref_squeeze %dma_wait3A_207 : memref<1x128x128xf32, #tpu.memory_space<vmem>> -> memref<128x128xf32, #tpu.memory_space<vmem>>
    %dma_wait3A_209 = arith.constant 0 : i32
    %dma_wait3A_210 = arith.constant 0 : i32
    %dma_wait3A_211 = tpu.memref_slice %arg4[%dma_wait3A_209, %dma_wait3A_210] : memref<100000x128xf32, #tpu.memory_space<hbm>> -> memref<128x128xf32, #tpu.memory_space<hbm>>
    %dma_wait3A_212 = arith.constant 0 : i32
    %dma_wait3A_213 = arith.constant 0 : i32
    %dma_wait3A_214 = tpu.memref_slice %arg4[%dma_wait3A_212, %dma_wait3A_213] : memref<100000x128xf32, #tpu.memory_space<hbm>> -> memref<128x128xf32, #tpu.memory_space<hbm>>
    %dma_wait3A_215 = arith.constant 0 : i32
    %dma_wait3A_216 = arith.constant 0 : i32
    %dma_wait3A_217 = tpu.memref_slice %arg6[%dma_wait3A_204, %dma_wait3A_215, %dma_wait3A_216] : memref<5x128x128xf32, #tpu.memory_space<vmem>> -> memref<1x128x128xf32, #tpu.memory_space<vmem>>
    %dma_wait3A_218 = tpu.memref_squeeze %dma_wait3A_217 : memref<1x128x128xf32, #tpu.memory_space<vmem>> -> memref<128x128xf32, #tpu.memory_space<vmem>>
    tpu.wait_dma2 semaphore(%arg9 : memref<!tpu.dma_semaphore, #tpu.memory_space<semaphore_mem>>) src(%dma_wait3A_218 : memref<128x128xf32, #tpu.memory_space<vmem>>) dst(%dma_wait3A_214 : memref<128x128xf32, #tpu.memory_space<hbm>>)
    %dma_wait3A_219 = arith.constant 0 : i32
    %dma_wait3A_220 = arith.constant 0 : i32
    %dma_wait3A_221 = arith.constant 0 : i32
    %dma_wait3A_222 = tpu.memref_slice %arg6[%dma_wait3A_219, %dma_wait3A_220, %dma_wait3A_221] : memref<5x128x128xf32, #tpu.memory_space<vmem>> -> memref<1x128x128xf32, #tpu.memory_space<vmem>>
    %dma_wait3A_223 = tpu.memref_squeeze %dma_wait3A_222 : memref<1x128x128xf32, #tpu.memory_space<vmem>> -> memref<128x128xf32, #tpu.memory_space<vmem>>
    %dma_wait3A_224 = arith.constant 0 : i32
    %dma_wait3A_225 = arith.constant 0 : i32
    %dma_wait3A_226 = tpu.memref_slice %arg4[%dma_wait3A_224, %dma_wait3A_225] : memref<100000x128xf32, #tpu.memory_space<hbm>> -> memref<128x128xf32, #tpu.memory_space<hbm>>
    %dma_wait3A_227 = arith.constant 0 : i32
    %dma_wait3A_228 = arith.constant 0 : i32
    %dma_wait3A_229 = tpu.memref_slice %arg4[%dma_wait3A_227, %dma_wait3A_228] : memref<100000x128xf32, #tpu.memory_space<hbm>> -> memref<128x128xf32, #tpu.memory_space<hbm>>
    %dma_wait3A_230 = arith.constant 0 : i32
    %dma_wait3A_231 = arith.constant 0 : i32
    %dma_wait3A_232 = tpu.memref_slice %arg6[%dma_wait3A_219, %dma_wait3A_230, %dma_wait3A_231] : memref<5x128x128xf32, #tpu.memory_space<vmem>> -> memref<1x128x128xf32, #tpu.memory_space<vmem>>
    %dma_wait3A_233 = tpu.memref_squeeze %dma_wait3A_232 : memref<1x128x128xf32, #tpu.memory_space<vmem>> -> memref<128x128xf32, #tpu.memory_space<vmem>>
    tpu.wait_dma2 semaphore(%arg9 : memref<!tpu.dma_semaphore, #tpu.memory_space<semaphore_mem>>) src(%dma_wait3A_233 : memref<128x128xf32, #tpu.memory_space<vmem>>) dst(%dma_wait3A_229 : memref<128x128xf32, #tpu.memory_space<hbm>>)
    %dma_wait3A_234 = arith.constant 0 : i32
    %dma_wait3A_235 = arith.constant 0 : i32
    %dma_wait3A_236 = arith.constant 0 : i32
    %dma_wait3A_237 = tpu.memref_slice %arg6[%dma_wait3A_234, %dma_wait3A_235, %dma_wait3A_236] : memref<5x128x128xf32, #tpu.memory_space<vmem>> -> memref<1x128x128xf32, #tpu.memory_space<vmem>>
    %dma_wait3A_238 = tpu.memref_squeeze %dma_wait3A_237 : memref<1x128x128xf32, #tpu.memory_space<vmem>> -> memref<128x128xf32, #tpu.memory_space<vmem>>
    %dma_wait3A_239 = arith.constant 0 : i32
    %dma_wait3A_240 = arith.constant 0 : i32
    %dma_wait3A_241 = tpu.memref_slice %arg4[%dma_wait3A_239, %dma_wait3A_240] : memref<100000x128xf32, #tpu.memory_space<hbm>> -> memref<128x128xf32, #tpu.memory_space<hbm>>
    %dma_wait3A_242 = arith.constant 0 : i32
    %dma_wait3A_243 = arith.constant 0 : i32
    %dma_wait3A_244 = tpu.memref_slice %arg4[%dma_wait3A_242, %dma_wait3A_243] : memref<100000x128xf32, #tpu.memory_space<hbm>> -> memref<128x128xf32, #tpu.memory_space<hbm>>
    %dma_wait3A_245 = arith.constant 0 : i32
    %dma_wait3A_246 = arith.constant 0 : i32
    %dma_wait3A_247 = tpu.memref_slice %arg6[%dma_wait3A_234, %dma_wait3A_245, %dma_wait3A_246] : memref<5x128x128xf32, #tpu.memory_space<vmem>> -> memref<1x128x128xf32, #tpu.memory_space<vmem>>
    %dma_wait3A_248 = tpu.memref_squeeze %dma_wait3A_247 : memref<1x128x128xf32, #tpu.memory_space<vmem>> -> memref<128x128xf32, #tpu.memory_space<vmem>>
    tpu.wait_dma2 semaphore(%arg9 : memref<!tpu.dma_semaphore, #tpu.memory_space<semaphore_mem>>) src(%dma_wait3A_248 : memref<128x128xf32, #tpu.memory_space<vmem>>) dst(%dma_wait3A_244 : memref<128x128xf32, #tpu.memory_space<hbm>>)
    %dma_wait3A_249 = arith.constant 0 : i32
    %dma_wait3A_250 = arith.constant 0 : i32
    %dma_wait3A_251 = arith.constant 0 : i32
    %dma_wait3A_252 = tpu.memref_slice %arg6[%dma_wait3A_249, %dma_wait3A_250, %dma_wait3A_251] : memref<5x128x128xf32, #tpu.memory_space<vmem>> -> memref<1x128x128xf32, #tpu.memory_space<vmem>>
    %dma_wait3A_253 = tpu.memref_squeeze %dma_wait3A_252 : memref<1x128x128xf32, #tpu.memory_space<vmem>> -> memref<128x128xf32, #tpu.memory_space<vmem>>
    %dma_wait3A_254 = arith.constant 0 : i32
    %dma_wait3A_255 = arith.constant 0 : i32
    %dma_wait3A_256 = tpu.memref_slice %arg4[%dma_wait3A_254, %dma_wait3A_255] : memref<100000x128xf32, #tpu.memory_space<hbm>> -> memref<128x128xf32, #tpu.memory_space<hbm>>
    %dma_wait3A_257 = arith.constant 0 : i32
    %dma_wait3A_258 = arith.constant 0 : i32
    %dma_wait3A_259 = tpu.memref_slice %arg4[%dma_wait3A_257, %dma_wait3A_258] : memref<100000x128xf32, #tpu.memory_space<hbm>> -> memref<128x128xf32, #tpu.memory_space<hbm>>
    %dma_wait3A_260 = arith.constant 0 : i32
    %dma_wait3A_261 = arith.constant 0 : i32
    %dma_wait3A_262 = tpu.memref_slice %arg6[%dma_wait3A_249, %dma_wait3A_260, %dma_wait3A_261] : memref<5x128x128xf32, #tpu.memory_space<vmem>> -> memref<1x128x128xf32, #tpu.memory_space<vmem>>
    %dma_wait3A_263 = tpu.memref_squeeze %dma_wait3A_262 : memref<1x128x128xf32, #tpu.memory_space<vmem>> -> memref<128x128xf32, #tpu.memory_space<vmem>>
    tpu.wait_dma2 semaphore(%arg9 : memref<!tpu.dma_semaphore, #tpu.memory_space<semaphore_mem>>) src(%dma_wait3A_263 : memref<128x128xf32, #tpu.memory_space<vmem>>) dst(%dma_wait3A_259 : memref<128x128xf32, #tpu.memory_space<hbm>>)
    return
  }
}

</mosaic_0001>

<sc_bundles>
// kernel: kernel.3.cloned.1.call-start
scs
__scs_entry_jumppad:
0x0: {  	(pc) =	sbr.rel $0x88, $3  }
0x1: {  	(tag) =	ssettag $0x0;
	lr =	simm.s32 $0x1  }
0x2: {  	[smem:$0x3F9E] =	sst lr;
	_ =	strace $0xD0000000  }
0x3: {  	_ = 	snop  }
0x4: {  	_ = 	snop  }
0x5: {  	_ = 	snop  }
0x6: {  	_ = 	snop  }
0x7: {  	_ = 	snop  }
__scs_overlays_trampoline_lowered:
0x8: {  	[smem:$0x3FAD] =	sst s0  }
0x9: {  	[smem:$0x3FAE] =	sst s1  }
0xa: {  	[smem:$0x3FAF] =	sst s2  }
0xb: {  	[smem:$0x3FB0] =	sst s3  }
0xc: {  	[smem:$0x3FB1] =	sst s4  }
0xd: {  	[smem:$0x3FB2] =	sst s5  }
0xe: {  	[smem:$0x3FB3] =	sst s6  }
0xf: {  	[smem:$0x3FB4] =	sst s7  }
0x10: {  	[smem:$0x3FB5] =	sst s8  }
0x11: {  	[smem:$0x3FB6] =	sst s9;
	s0 =	simm.s32 @!p0 $0x0  }
0x12: {  	s1 =	sld [smem:$0x3F9C];
	s0 =	simm.s32 @p0 $0x1  }
0x13: {  	[smem:$0x3FB7] =	sst s0;
	s0 =	simm.s32 @!p1 $0x0  }
0x14: {  	s2 =	sld [smem:$0x3F9B];
	s0 =	simm.s32 @p1 $0x1  }
0x15: {  	[smem:$0x3FB8] =	sst s0;
	s0 =	simm.s32 @!p2 $0x0  }
0x16: {  	s3 =	sld [smem:$0x3FDB];
	s0 =	simm.s32 @p2 $0x1  }
0x17: {  	s4 =	simm.s32 $0x1BF5;
	[smem:$0x3FBA] =	sst s0  }
0x18: {  	s0 =	sld [smem:$0x3F9D];
	_ =	swait.ge [sflag:s4], $0x0  }
0x19: {  	s7 =	sld [smem:$0x3F9E]  }
0x1a: {  	s8 =	sadd.s32 $0xFFFFE003, lr  }
0x1b: {  	s9 =	sadd.s32 $0xFFFFFEF7, lr;
	s5 =	simm.s32 $0xFFFFFFFF;
	p2 =	slt.u32 s8, $0xFFFFF086  }
0x1c: {  	p1 =	slt.u32 s9, $0xF7A;
	s5 =	simm.s32 @!p2 $0x0  }
0x1d: {  	s5 =	simm.s32 @p1 $0x1;
	p0 =	seq.s32 s7, s2  }
0x1e: {  	s7 =	smul.u32 @!p0 $0xF7A, s2;
	p2 =	seq.s32 @!p0 s5, $0x0  }
0x1f: {  	s9 =	smul.u32 $0xF7A, s1;
	s8 =	simm.s32 @!p0 $0x1BF5;
	p2 =	por !p2, p0  }
0x20: {  	[sflag:s8] =	ssyncset.s32 @!p0 $0xFFFFF086;
	s6 =	sadd.s32 @!p0 s3, s7;
	s7 =	simm.s32 @!p0 $0x108  }
0x21: {  	s3 =	sadd.s32 s3, s9;
	s6 =	sadd.s32 @!p0 $0x88, s6;
	s7 =	simm.s32 @p2 $0x1082  }
0x22: {  	[simem:s7], [sflag:s8] =	dma.local @!p0 [hbm:s6], $0xF7A  }
0x23: {  	s9 =	sor.u32 $0xD0000000, s2;
	s6 =	simm.s32 $0x108;
	_ =	swait.ge @!p0 [sflag:s8], $0x0  }
0x24: {  	s3 =	sadd.s32 $0x88, s3;
	s6 =	simm.s32 @!p1 $0x1082;
	[sflag:s4] =	ssyncset.s32 $0xFFFFF086  }
0x25: {  	[simem:s6], [sflag:s4] =	dma.local [hbm:s3], $0xF7A  }
0x26: {  	[smem:$0x3F9E] =	sst s1;
	(tag) =	ssettag s2;
	_ =	strace s9  }
0x27: {  	s1 =	sld [smem:$0x3FAE]  }
0x28: {  	s2 =	sld [smem:$0x3FAF]  }
0x29: {  	s4 =	sld [smem:$0x3FB1]  }
0x2a: {  	p0 =	seq.s32 s5, $0x0;
	s5 =	sld [smem:$0x3FB2]  }
0x2b: {  	s6 =	sld [smem:$0x3FB3]  }
0x2c: {  	s7 =	sld [smem:$0x3FB4]  }
0x2d: {  	s3 =	simm.s32 $0x108;
	s8 =	sld [smem:$0x3FB5]  }
0x2e: {  	s3 =	simm.s32 @!p0 $0x1082;
	s9 =	sld [smem:$0x3FB6]  }
0x2f: {  	lr =	sadd.s32 s0, s3;
	s0 =	sld [smem:$0x3FAD]  }
0x30: {  	s3 =	sld [smem:$0x3FB0]  }
0x31: {  	[smem:$0x3FB9] =	sst s10  }
0x32: {  	s10 =	sld [smem:$0x3FB7];
	_ =	sdelay $0x3  }
0x33: {  	p0 =	seq.s32 s10, $0x1;
	s10 =	sld [smem:$0x3FB9];
	_ =	sdelay $0x3  }
0x34: {  	[smem:$0x3FB9] =	sst s10  }
0x35: {  	s10 =	sld [smem:$0x3FB8];
	_ =	sdelay $0x3  }
0x36: {  	p1 =	seq.s32 s10, $0x1;
	s10 =	sld [smem:$0x3FB9];
	_ =	sdelay $0x3  }
0x37: {  	[smem:$0x3FB9] =	sst s10  }
0x38: {  	s10 =	sld [smem:$0x3FBA]  }
0x39: {  	_ = 	snop;
	(pc) =	sbr.ind lr, $3  }
0x3a: {  	_ = 	snop  }
0x3b: {  	_ = 	snop  }
0x3c: {  	p2 =	seq.s32 s10, $0x1;
	s10 =	sld [smem:$0x3FB9]  }
0x3d: {  	_ =	shalt  }
0x3e: {  	_ =	shalt  }
0x3f: {  	_ =	shalt  }
0x40: {  	_ =	shalt  }
0x41: {  	_ =	shalt  }
0x42: {  	_ =	shalt  }
0x43: {  	_ =	shalt  }
0x44: {  	_ =	shalt  }
0x45: {  	_ =	shalt  }
0x46: {  	_ =	shalt  }
0x47: {  	_ =	shalt  }
0x48: {  	_ =	shalt  }
0x49: {  	_ =	shalt  }
0x4a: {  	_ =	shalt  }
0x4b: {  	_ =	shalt  }
0x4c: {  	_ =	shalt  }
0x4d: {  	_ =	shalt  }
0x4e: {  	_ =	shalt  }
0x4f: {  	_ =	shalt  }
0x50: {  	_ =	shalt  }
0x51: {  	_ =	shalt  }
0x52: {  	_ =	shalt  }
0x53: {  	_ =	shalt  }
0x54: {  	_ =	shalt  }
0x55: {  	_ =	shalt  }
0x56: {  	_ =	shalt  }
0x57: {  	_ =	shalt  }
0x58: {  	_ =	shalt  }
0x59: {  	_ =	shalt  }
0x5a: {  	_ =	shalt  }
0x5b: {  	_ =	shalt  }
0x5c: {  	_ =	shalt  }
0x5d: {  	_ =	shalt  }
0x5e: {  	_ =	shalt  }
0x5f: {  	_ =	shalt  }
0x60: {  	_ =	shalt  }
0x61: {  	_ =	shalt  }
0x62: {  	_ =	shalt  }
0x63: {  	_ =	shalt  }
0x64: {  	_ =	shalt  }
0x65: {  	_ =	shalt  }
0x66: {  	_ =	shalt  }
0x67: {  	_ =	shalt  }
0x68: {  	_ =	shalt  }
0x69: {  	_ =	shalt  }
0x6a: {  	_ =	shalt  }
0x6b: {  	_ =	shalt  }
0x6c: {  	_ =	shalt  }
0x6d: {  	_ =	shalt  }
0x6e: {  	_ =	shalt  }
0x6f: {  	_ =	shalt  }
0x70: {  	_ =	shalt  }
0x71: {  	_ =	shalt  }
0x72: {  	_ =	shalt  }
0x73: {  	_ =	shalt  }
0x74: {  	_ =	shalt  }
0x75: {  	_ =	shalt  }
0x76: {  	_ =	shalt  }
0x77: {  	_ =	shalt  }
0x78: {  	_ =	shalt  }
0x79: {  	_ =	shalt  }
0x7a: {  	_ =	shalt  }
0x7b: {  	_ =	shalt  }
0x7c: {  	_ =	shalt  }
0x7d: {  	_ =	shalt  }
0x7e: {  	_ =	shalt  }
0x7f: {  	_ =	shalt  }
0x80: {  	_ =	shalt  }
0x81: {  	_ =	shalt  }
0x82: {  	_ =	shalt  }
0x83: {  	_ =	shalt  }
0x84: {  	_ =	shalt  }
0x85: {  	_ =	shalt  }
0x86: {  	_ =	shalt  }
0x87: {  	_ =	shalt  }
.Lfunc_end0:
.L_simem_size_0:
called_computation_lowered:
.L_overlay_start_0:
0x88: {  	s2 =	sld [smem:$0x3FD9]  }
0x89: {  	s3 =	sld [smem:$0x3FFE];
	_ =	sdelay $0x1  }
0x8a: {  	s1 =	srdreg.scid  }
0x8b: {  	s0 =	sand.u32 $0x1, s1  }
0x8c: {  	s15 =	sshll.u32 s0, $0xA;
	s2 =	sadd.s32 s3, s2  }
0x8d: {  	s2 =	sadd.s32 s2, s15  }
0x8e: {  	[smem:$0x3FC5] =	sst s2  }
0x8f: {  	_ = 	snop  }
0x90: {  	s2 =	sld [smem:$0x3FD0];
	_ =	sdelay $0x1  }
0x91: {  	s16 =	sld [smem:$0x3FC9]  }
0x92: {  	s5 =	simm.s32 $0xA;
	s6 =	simm.s32 $0x10;
	s4 =	sld [smem:$0x3FC7]  }
0x93: {  	[smem:s6], [sflag:s5] =	dma.local [hbm:s2], $0x1  }
0x94: {  	_ =	swait.eq [sflag:s5], $0x1  }
0x95: {  	[sflag:s5] =	ssyncset.done $0x0  }
0x96: {  	[sflag:s5] =	ssyncadd.s32 $0xFFFFFFFF  }
0x97: {  	s17 =	sld [smem:$0x10];
	(tm) =	ssettm $0x1  }
0x98: {  	s18 =	sld [smem:$0x3FFB];
	_ =	sdelay $0x3  }
0x99: {  	_ =	strace s18  }
0x9a: {  	s5 =	sld [smem:$0x3FFC];
	_ =	sdelay $0x3  }
0x9b: {  	_ =	strace s5  }
0x9c: {  	s5 =	sld [smem:$0x3FFD];
	_ =	sdelay $0x3  }
0x9d: {  	_ =	strace s5  }
0x9e: {  	_ =	strace $0x8FFFFFFF  }
0x9f: {  	s19 =	sld [smem:$0x3FDB];
	_ =	sdelay $0x1  }
0xa0: {  	s20 =	simm.s32 $_scs_section_size  }
0xa1: {  	s7 =	simm.s32 $_size__tile_overlayer_lowered;
	s8 =	simm.s32 $_tile_overlayer_lowered  }
0xa2: {  	s23 =	simm.s32 $0x1BFF;
	s22 =	sshll.u32 s8, $0x1;
	s5 =	sadd.s32 s20, s19  }
0xa3: {  	s9 =	simm.s32 $0x0;
	s21 =	sshll.u32 s7, $0x1;
	s7 =	sadd.s32 s22, s5  }
0xa4: {  	[timem:s9], [sflag:s23] =	dma.local [hbm:s7], s21  }
0xa5: {  	_ =	swait.ge [sflag:s23], s21  }
0xa6: {  	s6 =	ssub.s32 $0x0, s21;
	[sflag:s23] =	ssyncset.done $0x0  }
0xa7: {  	[sflag:s23] =	ssyncadd.s32 s6;
	_ =	sdelay $0x1  }
0xa8: {  	s24 =	simm.s32 $0x1B8B  }
0xa9: {  	_ =	swait.ge [sflag:s24], $0x1  }
0xaa: {  	[sflag:s24] =	ssyncset.done $0x0  }
0xab: {  	s25 =	simm.s32 $0x1B8E;
	[sflag:s24] =	ssyncadd.s32 $0xFFFFFFFF  }
0xac: {  	s26 =	simm.s32 $execute0_lowered;
	[smem:$0x3FD2] =	sst s25  }
0xad: {  	s6 =	sshll.u32 s26, $0x1;
	_ =	strace $0x80000046;
	[dreg:$0x1] =	wrdreg $0xFFFFFFFF  }
0xae: {  	s28 =	simm.s32 $_size_execute0_lowered;
	s5 =	sadd.s32 s5, s6;
	[dreg:$0x0] =	wrdreg $0x0  }
0xaf: {  	s6 =	sshll.u32 s28, $0x1;
	[dreg:$0x2] =	wrdreg s5  }
0xb0: {  	[dreg:$0x3] =	wrdreg s6  }
0xb1: {  	[dreg:$0x4] =	wrdreg $0xC0  }
0xb2: {  	_ =	task [dreg:s9], $0x5FFFF  }
0xb3: {  	[dreg:$0x1] =	wrdreg $0xFFFFFFFF  }
0xb4: {  	[dreg:$0x0] =	wrdreg $0x60  }
0xb5: {  	[dreg:$0x2] =	wrdreg s16  }
0xb6: {  	[dreg:$0x3] =	wrdreg s4  }
0xb7: {  	[dreg:$0x4] =	wrdreg s17  }
0xb8: {  	[dreg:$0x5] =	wrdreg $0x14C800  }
0xb9: {  	[dreg:$0x6] =	wrdreg $0x9  }
0xba: {  	_ =	task.clear_ibuf [dreg:s9], $0x7FFFF;
	_ =	strace $0x90000046  }
0xbb: {  	s29 =	simm.s32 $0x9;
	_ =	strace $0x80000048  }
0xbc: {  	_ =	swait.ge [sflag:s29], $0x1  }
0xbd: {  	[sflag:s29] =	ssyncadd.s32 $0xFFFFFFFF  }
0xbe: {  	_ =	strace $0x90000048  }
0xbf: {  	_ =	sfence  }
0xc0: {  	s30 =	sld [smem:$0x0];
	_ =	sdelay $0x2  }
0xc1: {  	s31 =	sshll.u32 s1, $0xD;
	s1 =	sshrl.u32 s1, $0x2  }
0xc2: {  	s3 =	sand.u32 $0x4000, s31;
	s1 =	sadd.s32 s1, s30  }
0xc3: {  	s0 =	sor.u32 s3, s0;
	s1 =	sshll.u32 s1, $0x11  }
0xc4: {  	s0 =	sor.u32 s1, s0  }
0xc5: {  	s0 =	sadd.s32 $0x8F2B, s0  }
0xc6: {  	[sflag:s0] =	ssyncadd.remote.s32 $0x1  }
0xc7: {  	_ =	sfence.sel $0xFFFF  }
0xc8: {  	[dreg:$0x0] =	wrdreg $0xFFFFFFFF;
	(pc) =	sbr.abs _section_cstart, $3  }
0xc9: {  	[dreg:$0x1] =	wrdreg $0xFFFFFFFF  }
0xca: {  	_ =	task.clear_ibuf [dreg:s9], $0x2FFFF;
	_ =	strace $0x9FFFFFFF  }
0xcb: {  	(tm) =	ssettm $0x7FFFFFFF  }
tec
execute0_lowered:
.L_overlay_start_1:
0x0: {  	(tag) =	ssettag $0x1  }
0x1: {  	s5 =	rddreg [dreg:$0x0]  }
0x2: {  	s0 =	rddreg [dreg:$0x1]  }
0x3: {  	s1 =	srdreg.scid;
	s11 =	rddreg [dreg:$0x2]  }
0x4: {  	s10 =	stileid.u32;
	s2 =	rddreg [dreg:$0x3]  }
0x5: {  	s3 =	simm.s32 $0x0;
	s14 =	simm.s32 $0xC80;
	s15 =	simm.s32 $0x4C80  }
0x6: {  	s16 =	simm.s32 $0x1;
	s17 =	simm.s32 $0x100;
	s18 =	simm.s32 $0x8C80  }
0x7: {  	s19 =	simm.s32 $0x180;
	s20 =	simm.s32 $0xCC80;
	s21 =	simm.s32 $0x200  }
0x8: {  	s22 =	simm.s32 $0x10C80;
	s23 =	simm.s32 $0x2;
	s24 =	simm.s32 $0x0  }
0x9: {  	s4 =	sand.u32 $0x1, s1;
	s26 =	sshll.u32 s10, $0x1;
	s1 =	rddreg [dreg:$0x4]  }
0xa: {  	[smem:$0x7FF] =	sst s3;
	s8 =	smul.u32 $0x1900, s10;
	p0 =	sne.s32 s10, $0x0  }
0xb: {  	s6 =	sor.u32 s4, s26;
	s7 =	ssub.s32 $0x2, s4;
	s12 =	smul.u32 $0xC80, s4  }
0xc: {  	_ =	strace $0x80000047;
	s6 =	smul.u32 $0xC80, s6;
	s9 =	sshrl.u32 s7, $0x1  }
0xd: {  	s13 =	ssub.s32 s7, s9;
	s29 =	sadd.s32 s12, s8;
	s12 =	sshrl.u32 @!p0 s2, $0x3  }
0xe: {  	s6 =	smin.u32 s6, $0x17A20;
	s30 =	smin.u32 s29, $0x17A20;
	s10 =	smax.u32 s13, $0x1  }
0xf: {  	s13 =	simm.s32 $0x80;
	s28 =	sshll.u32 s6, $0x4;
	s6 =	sshrl.u32 s6, $0x3  }
0x10: {  	s31 =	sshll.u32 s30, $0x4;
	s4 =	sadd.s32 s11, s28;
	s5 =	sadd.s32 s5, s6  }
0x11: {  	s11 =	sadd.s32 s31, s11;
	s6 =	sadd.s32 $0x800, s4;
	s7 =	sadd.s32 $0x1000, s4  }
0x12: {  	s8 =	sadd.s32 $0x1800, s4;
	s9 =	sadd.s32 $0xC000, s4;
	s11 =	sadd.s32 $0x2000, s11  }
.LBB2_1:
0x13: {  	s25 =	simm.s32 @p0 $0x0  }
0x14: {  	[tilespmem:s25], [sflag:$0x4] =	stream.linear.gather @p0 [hbm4b:s5+s25], $0xC80, $0x38;
	[tilespmem:$0x15038] =	vst v63  }
0x15: {  	s25 =	simm.s32 @p0 $0x4  }
0x16: {  	_ =	swait.ge @p0 [sflag:s25], $0xC80  }
0x17: {  	[sflag:s25] =	ssyncset.done @p0 $0x0  }
0x18: {  	[sflag:s25] =	ssyncadd.s32 @p0 $0xFFFFF380;
	s25 =	simm.s32 @!p0 $0x1C03  }
0x19: {  	[spmem:s12], [sflag:s25] =	dma.local @!p0 [hbm:s0], $0x770  }
0x1a: {  	s25 =	simm.s32 @!p0 $0x0  }
0x1b: {  	[tilespmem:s25], [sflag:$0x4] =	stream.linear.gather @!p0 [hbm4b:s5+s25], $0xC80, $0x38;
	[tilespmem:$0x15038] =	vst v63  }
0x1c: {  	s25 =	simm.s32 @!p0 $0x4  }
0x1d: {  	_ =	swait.ge @!p0 [sflag:s25], $0xC80  }
0x1e: {  	[sflag:s25] =	ssyncset.done @!p0 $0x0  }
0x1f: {  	[sflag:s25] =	ssyncadd.s32 @!p0 $0xFFFFF380;
	s25 =	simm.s32 @!p0 $0x3  }
0x20: {  	_ =	swait.ge @!p0 [sflag:s25], $0x770  }
0x21: {  	[sflag:s25] =	ssyncset.done @!p0 $0x0  }
0x22: {  	[sflag:s25] =	ssyncadd.s32 @!p0 $0xFFFFF890  }
0x23: {  	[bflag:$0x0] =	sbarrier.arrive $0xFFFF  }
0x24: {  	[tilespmem:s14], [sflag:$0x1] =	stream.indirect.gather [spmem:s2], $0x80, s3, s13, $0xb8;
	[tilespmem:$0x15038] =	vst v63  }
0x25: {  	_ = 	snop  }
0x26: {  	[tilespmem:s15], [sflag:$0x1] =	stream.indirect.gather [spmem:s2], $0x80, s13, s13, $0xb8;
	[tilespmem:$0x15038] =	vst v63  }
0x27: {  	_ =	swait.ge [sflag:s16], $0x4000  }
0x28: {  	[sflag:s16] =	ssyncset.done $0x0  }
0x29: {  	[sflag:s16] =	ssyncadd.s32 $0xFFFFC000  }
0x2a: {  	[hbm4b:s4+s3] =	stream.linear.scatter [tilespmem:s14], [sflag:$0x2], $0x4000, $0x38;
	[tilespmem:$0x15038] =	vst v63  }
0x2b: {  	_ = 	snop  }
0x2c: {  	[tilespmem:s18], [sflag:$0x1] =	stream.indirect.gather [spmem:s2], $0x80, s17, s13, $0xb8;
	[tilespmem:$0x15038] =	vst v63  }
0x2d: {  	_ =	swait.ge [sflag:s16], $0x4000  }
0x2e: {  	[sflag:s16] =	ssyncset.done $0x0  }
0x2f: {  	[sflag:s16] =	ssyncadd.s32 $0xFFFFC000  }
0x30: {  	[hbm4b:s6+s3] =	stream.linear.scatter [tilespmem:s15], [sflag:$0x2], $0x4000, $0x38;
	[tilespmem:$0x15038] =	vst v63  }
0x31: {  	_ = 	snop  }
0x32: {  	[tilespmem:s20], [sflag:$0x1] =	stream.indirect.gather [spmem:s2], $0x80, s19, s13, $0xb8;
	[tilespmem:$0x15038] =	vst v63  }
0x33: {  	_ =	swait.ge [sflag:s16], $0x4000  }
0x34: {  	[sflag:s16] =	ssyncset.done $0x0  }
0x35: {  	[sflag:s16] =	ssyncadd.s32 $0xFFFFC000  }
0x36: {  	[hbm4b:s7+s3] =	stream.linear.scatter [tilespmem:s18], [sflag:$0x2], $0x4000, $0x38;
	[tilespmem:$0x15038] =	vst v63  }
0x37: {  	_ = 	snop  }
0x38: {  	[tilespmem:s22], [sflag:$0x1] =	stream.indirect.gather [spmem:s2], $0x80, s21, s13, $0xb8;
	[tilespmem:$0x15038] =	vst v63  }
0x39: {  	_ =	swait.ge [sflag:s16], $0x4000  }
0x3a: {  	[sflag:s16] =	ssyncset.done $0x0  }
0x3b: {  	[sflag:s16] =	ssyncadd.s32 $0xFFFFC000  }
0x3c: {  	[hbm4b:s8+s3] =	stream.linear.scatter [tilespmem:s20], [sflag:$0x2], $0x4000, $0x38;
	[tilespmem:$0x15038] =	vst v63  }
0x3d: {  	_ =	swait.ge [sflag:s23], $0x4000  }
0x3e: {  	[sflag:s23] =	ssyncset.done $0x0  }
0x3f: {  	s26 =	simm.s32 $0x280;
	[sflag:s23] =	ssyncadd.s32 $0xFFFFC000  }
0x40: {  	[tilespmem:s14], [sflag:$0x1] =	stream.indirect.gather [spmem:s2], $0x80, s26, s13, $0xb8;
	[tilespmem:$0x15038] =	vst v63  }
0x41: {  	_ =	swait.ge [sflag:s16], $0x4000  }
0x42: {  	[sflag:s16] =	ssyncset.done $0x0  }
0x43: {  	[sflag:s16] =	ssyncadd.s32 $0xFFFFC000  }
0x44: {  	[hbm4b:s11+s3] =	stream.linear.scatter [tilespmem:s22], [sflag:$0x2], $0x4000, $0x38;
	[tilespmem:$0x15038] =	vst v63  }
0x45: {  	_ =	swait.ge [sflag:s23], $0x4000  }
0x46: {  	[sflag:s23] =	ssyncset.done $0x0  }
0x47: {  	s29 =	simm.s32 $0x300;
	[sflag:s23] =	ssyncadd.s32 $0xFFFFC000  }
0x48: {  	[tilespmem:s15], [sflag:$0x1] =	stream.indirect.gather [spmem:s2], $0x80, s29, s13, $0xb8;
	[tilespmem:$0x15038] =	vst v63  }
0x49: {  	_ =	swait.ge [sflag:s16], $0x4000  }
0x4a: {  	[sflag:s16] =	ssyncset.done $0x0  }
0x4b: {  	s30 =	sadd.s32 $0x800, s11;
	[sflag:s16] =	ssyncadd.s32 $0xFFFFC000  }
0x4c: {  	[hbm4b:s30+s3] =	stream.linear.scatter [tilespmem:s14], [sflag:$0x2], $0x4000, $0x38;
	[tilespmem:$0x15038] =	vst v63  }
0x4d: {  	_ =	swait.ge [sflag:s23], $0x4000  }
0x4e: {  	[sflag:s23] =	ssyncset.done $0x0  }
0x4f: {  	s31 =	simm.s32 $0x380;
	[sflag:s23] =	ssyncadd.s32 $0xFFFFC000  }
0x50: {  	[tilespmem:s18], [sflag:$0x1] =	stream.indirect.gather [spmem:s2], $0x80, s31, s13, $0xb8;
	[tilespmem:$0x15038] =	vst v63  }
0x51: {  	_ =	swait.ge [sflag:s16], $0x4000  }
0x52: {  	[sflag:s16] =	ssyncset.done $0x0  }
0x53: {  	s26 =	sadd.s32 $0x1000, s11;
	[sflag:s16] =	ssyncadd.s32 $0xFFFFC000  }
0x54: {  	[hbm4b:s26+s3] =	stream.linear.scatter [tilespmem:s15], [sflag:$0x2], $0x4000, $0x38;
	[tilespmem:$0x15038] =	vst v63  }
0x55: {  	_ =	swait.ge [sflag:s23], $0x4000  }
0x56: {  	[sflag:s23] =	ssyncset.done $0x0  }
0x57: {  	s29 =	simm.s32 $0x400;
	[sflag:s23] =	ssyncadd.s32 $0xFFFFC000  }
0x58: {  	[tilespmem:s20], [sflag:$0x1] =	stream.indirect.gather [spmem:s2], $0x80, s29, s13, $0xb8;
	[tilespmem:$0x15038] =	vst v63  }
0x59: {  	_ =	swait.ge [sflag:s16], $0x4000  }
0x5a: {  	[sflag:s16] =	ssyncset.done $0x0  }
0x5b: {  	s30 =	sadd.s32 $0x1800, s11;
	[sflag:s16] =	ssyncadd.s32 $0xFFFFC000  }
0x5c: {  	[hbm4b:s30+s3] =	stream.linear.scatter [tilespmem:s18], [sflag:$0x2], $0x4000, $0x38;
	[tilespmem:$0x15038] =	vst v63  }
0x5d: {  	_ =	swait.ge [sflag:s23], $0x4000  }
0x5e: {  	[sflag:s23] =	ssyncset.done $0x0  }
0x5f: {  	s31 =	simm.s32 $0x480;
	[sflag:s23] =	ssyncadd.s32 $0xFFFFC000  }
0x60: {  	[tilespmem:s22], [sflag:$0x1] =	stream.indirect.gather [spmem:s2], $0x80, s31, s13, $0xb8;
	[tilespmem:$0x15038] =	vst v63  }
0x61: {  	_ =	swait.ge [sflag:s16], $0x4000  }
0x62: {  	s28 =	sadd.s32 $0x2000, s11;
	[sflag:s16] =	ssyncset.done $0x0  }
0x63: {  	s25 =	simm.s32 $0xA00;
	s26 =	sadd.s32 $0x2800, s11;
	[sflag:s16] =	ssyncadd.s32 $0xFFFFC000  }
.LBB2_2:
0x64: {  	[hbm4b:s28+s3] =	stream.linear.scatter [tilespmem:s20], [sflag:$0x2], $0x4000, $0x38;
	[tilespmem:$0x15038] =	vst v63  }
0x65: {  	s28 =	smov.u32 s25  }
0x66: {  	p1 =	sne.s32 s25, $0x1E00;
	s25 =	sadd.s32 $0xA00, s25;
	_ =	swait.ge [sflag:s23], $0x4000  }
0x67: {  	s28 =	sshra.s32 s28, $0x2;
	[sflag:s23] =	ssyncset.done $0x0  }
0x68: {  	s29 =	sadd.s32 $0x280, s28;
	[sflag:s23] =	ssyncadd.s32 $0xFFFFC000  }
0x69: {  	[tilespmem:s14], [sflag:$0x1] =	stream.indirect.gather [spmem:s2], $0x80, s29, s13, $0xb8;
	[tilespmem:$0x15038] =	vst v63  }
0x6a: {  	_ =	swait.ge [sflag:s16], $0x4000  }
0x6b: {  	[sflag:s16] =	ssyncset.done $0x0  }
0x6c: {  	[sflag:s16] =	ssyncadd.s32 $0xFFFFC000  }
0x6d: {  	[hbm4b:s26+s3] =	stream.linear.scatter [tilespmem:s22], [sflag:$0x2], $0x4000, $0x38;
	[tilespmem:$0x15038] =	vst v63  }
0x6e: {  	_ =	swait.ge [sflag:s23], $0x4000  }
0x6f: {  	[sflag:s23] =	ssyncset.done $0x0  }
0x70: {  	s29 =	sadd.s32 $0x300, s28;
	[sflag:s23] =	ssyncadd.s32 $0xFFFFC000  }
0x71: {  	[tilespmem:s15], [sflag:$0x1] =	stream.indirect.gather [spmem:s2], $0x80, s29, s13, $0xb8;
	[tilespmem:$0x15038] =	vst v63  }
0x72: {  	_ =	swait.ge [sflag:s16], $0x4000  }
0x73: {  	[sflag:s16] =	ssyncset.done $0x0  }
0x74: {  	s29 =	sadd.s32 $0x800, s26;
	[sflag:s16] =	ssyncadd.s32 $0xFFFFC000  }
0x75: {  	[hbm4b:s29+s3] =	stream.linear.scatter [tilespmem:s14], [sflag:$0x2], $0x4000, $0x38;
	[tilespmem:$0x15038] =	vst v63  }
0x76: {  	_ =	swait.ge [sflag:s23], $0x4000  }
0x77: {  	[sflag:s23] =	ssyncset.done $0x0  }
0x78: {  	s29 =	sadd.s32 $0x380, s28;
	[sflag:s23] =	ssyncadd.s32 $0xFFFFC000  }
0x79: {  	[tilespmem:s18], [sflag:$0x1] =	stream.indirect.gather [spmem:s2], $0x80, s29, s13, $0xb8;
	[tilespmem:$0x15038] =	vst v63  }
0x7a: {  	_ =	swait.ge [sflag:s16], $0x4000  }
0x7b: {  	[sflag:s16] =	ssyncset.done $0x0  }
0x7c: {  	s29 =	sadd.s32 $0x1000, s26;
	[sflag:s16] =	ssyncadd.s32 $0xFFFFC000  }
0x7d: {  	[hbm4b:s29+s3] =	stream.linear.scatter [tilespmem:s15], [sflag:$0x2], $0x4000, $0x38;
	[tilespmem:$0x15038] =	vst v63  }
0x7e: {  	_ =	swait.ge [sflag:s23], $0x4000  }
0x7f: {  	[sflag:s23] =	ssyncset.done $0x0  }
0x80: {  	s29 =	sadd.s32 $0x400, s28;
	[sflag:s23] =	ssyncadd.s32 $0xFFFFC000  }
0x81: {  	[tilespmem:s20], [sflag:$0x1] =	stream.indirect.gather [spmem:s2], $0x80, s29, s13, $0xb8;
	[tilespmem:$0x15038] =	vst v63  }
0x82: {  	_ =	swait.ge [sflag:s16], $0x4000  }
0x83: {  	[sflag:s16] =	ssyncset.done $0x0  }
0x84: {  	s29 =	sadd.s32 $0x1800, s26;
	[sflag:s16] =	ssyncadd.s32 $0xFFFFC000  }
0x85: {  	[hbm4b:s29+s3] =	stream.linear.scatter [tilespmem:s18], [sflag:$0x2], $0x4000, $0x38;
	[tilespmem:$0x15038] =	vst v63  }
0x86: {  	_ =	swait.ge [sflag:s23], $0x4000  }
0x87: {  	[sflag:s23] =	ssyncset.done $0x0  }
.Ltmp0:
0x88: {  	s28 =	sadd.s32 $0x480, s28;
	[sflag:s23] =	ssyncadd.s32 $0xFFFFC000;
	(pc) =	sbr.rel @p1 .LBB2_2-.Ltmp0, $4  }
0x89: {  	[tilespmem:s22], [sflag:$0x1] =	stream.indirect.gather [spmem:s2], $0x80, s28, s13, $0xb8;
	[tilespmem:$0x15038] =	vst v63  }
0x8a: {  	_ =	swait.ge [sflag:s16], $0x4000  }
0x8b: {  	[sflag:s16] =	ssyncset.done $0x0  }
0x8c: {  	s28 =	sadd.s32 $0x2000, s26;
	s26 =	sadd.s32 $0x2800, s26;
	[sflag:s16] =	ssyncadd.s32 $0xFFFFC000  }
0x8d: {  	[hbm4b:s28+s3] =	stream.linear.scatter [tilespmem:s20], [sflag:$0x2], $0x4000, $0x38;
	[tilespmem:$0x15038] =	vst v63  }
0x8e: {  	_ =	swait.ge [sflag:s16], $0x4000  }
0x8f: {  	[sflag:s16] =	ssyncset.done $0x0  }
0x90: {  	[sflag:s16] =	ssyncadd.s32 $0xFFFFC000  }
0x91: {  	[hbm4b:s9+s3] =	stream.linear.scatter [tilespmem:s22], [sflag:$0x2], $0x4000, $0x38;
	[tilespmem:$0x15038] =	vst v63  }
0x92: {  	_ =	swait.ge [sflag:s23], $0x4000  }
0x93: {  	[sflag:s23] =	ssyncset.done $0x0  }
0x94: {  	[sflag:s23] =	ssyncadd.s32 $0xFFFFC000  }
0x95: {  	_ =	swait.ge [sflag:s23], $0x4000  }
0x96: {  	[sflag:s23] =	ssyncset.done $0x0  }
0x97: {  	[sflag:s23] =	ssyncadd.s32 $0xFFFFC000  }
0x98: {  	_ =	swait.ge [sflag:s23], $0x4000  }
0x99: {  	[sflag:s23] =	ssyncset.done $0x0  }
0x9a: {  	s24 =	sadd.s32 $0x1, s24;
	[sflag:s23] =	ssyncadd.s32 $0xFFFFC000  }
0x9b: {  	p1 =	sne.s32 s24, s10;
	_ =	swait.ge [sflag:s23], $0x4000  }
.Ltmp1:
0x9c: {  	[sflag:s23] =	ssyncset.done $0x0;
	(pc) =	sbr.rel @p1 .LBB2_1-.Ltmp1, $4  }
0x9d: {  	[sflag:s23] =	ssyncadd.s32 $0xFFFFC000  }
0x9e: {  	_ =	swait.ge [sflag:s23], $0x4000  }
0x9f: {  	[sflag:s23] =	ssyncset.done $0x0  }
0xa0: {  	[sflag:s23] =	ssyncadd.s32 $0xFFFFC000  }
0xa1: {  	_ =	sfence.sel $0x180000  }
0xa2: {  	[bflag:$0x0] =	sbarrier.arrive $0xFFFF  }
0xa3: {  	_ =	strace $0x90000047  }
0xa4: {  	s0 =	sadd.s32 @!p0 $0x100000, s1;
	[bflag:$0x2] =	sbarrier.arrive $0xFFFF  }
0xa5: {  	[sflag:s0] =	ssyncadd.tile.s32 @!p0 $0x1;
	_ =	shalt  }
.Lfunc_end2:
_tile_overlayer_lowered:
.L_overlay_start_2:
0xa6: {  	(tag) =	ssettag $0x2  }
0xa7: {  	s0 =	rddreg [dreg:$0x0];
	s2 =	stileid.u32  }
0xa8: {  	s1 =	rddreg [dreg:$0x1];
	p0 =	sne.s32 s2, $0x0  }
0xa9: {  	s3 =	rddreg [dreg:$0x2];
	[bflag:$0x3] =	sbarrier.arrive $0xFFFF;
	s2 =	simm.s32 @!p0 $0x1C04  }
0xaa: {  	[timem:s3], [sflag:s2] =	dma.local @!p0 [hbm:s0], s1  }
0xab: {  	s0 =	simm.s32 @!p0 $0x4  }
0xac: {  	_ =	swait.ge @!p0 [sflag:s0], s1  }
0xad: {  	s1 =	ssub.s32 @!p0 $0x0, s1;
	[sflag:s0] =	ssyncset.done @!p0 $0x0  }
0xae: {  	[sflag:s0] =	ssyncadd.s32 @!p0 s1  }
0xaf: {  	[bflag:$0x3] =	sbarrier.arrive $0xFFFF  }
0xb0: {  	_ =	shalt  }

</sc_bundles>
